<compile_context>
chip_gen: v7x
topology: tpu7x:2x2x1
jax: 0.10.2.dev20260603
libtpu: 0.0.44.dev20260713+nightly
codegen_flags: <defaults>
</compile_context>

<pallas_src>
import functools

import jax
import jax.numpy as jnp
from jax import lax
from jax.experimental import pallas as pl
from jax.experimental.pallas import tpu as pltpu
from jax.experimental.pallas import tpu_sc as plsc

MB = 13
NRING = 3


def _band_blocks_kernel(emb_ref, out_ref, *, K, D, NT):
    step = pl.program_id(0)
    for mm in range(MB):
        m = step * MB + mm
        kk = jax.lax.broadcasted_iota(jnp.int32, (K, 256), 0)
        x = jax.lax.broadcasted_iota(jnp.int32, (K, 256), 1)
        pos = jnp.clip(x - m, 0, K - 1)
        pos = jnp.where(m == NT - 2, 0, pos)
        pos = jnp.where(m == NT - 1, K - 1, pos)
        oh = (kk == pos).astype(jnp.float32)
        res = jax.lax.dot_general(
            emb_ref[...], oh, (((0,), (0,)), ((), ())),
            preferred_element_type=jnp.float32)
        out_ref[pl.ds(D * mm, D), :] = res


def _build_sc_kernel(sq, sv, D, n_shift):
    info = plsc.get_sparse_core_info()
    NC = info.num_cores
    NW = NC * info.num_subcores
    P = sq // NW
    ntiles = sv // 128
    LO = 0
    HI = 384
    SLANES = NRING * 512

    mesh = plsc.VectorSubcoreMesh(core_axis_name="c", subcore_axis_name="s")

    @functools.partial(
        pl.kernel, mesh=mesh,
        out_type=jax.ShapeDtypeStruct((sq * D, sv), jnp.float32),
        scratch_types=[
            pltpu.VMEM((D, SLANES), jnp.float32),
            pltpu.SemaphoreType.DMA,
            pltpu.SemaphoreType.DMA,
            pltpu.SemaphoreType.DMA,
        ],
    )
    def k(b_hbm, out_hbm, s_ref, sem_b, sem_bs, sem_s):
        wid = lax.axis_index("s") * NC + lax.axis_index("c")
        base = wid * P

        def load_band(plane, slot):
            m = lax.rem(base + plane + 64, 128)
            pltpu.async_copy(
                b_hbm.at[pl.ds(pl.multiple_of(D * m, 8), D), :],
                s_ref.at[:, pl.ds(pl.multiple_of(512 * slot + 128, 128), 256)],
                sem_b)

        def dummy_wait(sem, lanes):
            pltpu.make_async_copy(
                out_hbm.at[pl.ds(0, D), pl.ds(0, lanes)],
                s_ref.at[:, pl.ds(0, lanes)], sem).wait()

        for f in range(NRING):
            pltpu.sync_copy(b_hbm.at[pl.ds(D * n_shift, D), pl.ds(0, 128)],
                            s_ref.at[:, pl.ds(512 * f, 128)])
            pltpu.sync_copy(
                b_hbm.at[pl.ds(D * (n_shift + 1), D), pl.ds(0, 128)],
                s_ref.at[:, pl.ds(512 * f + 384, 128)])

        for q in range(NRING - 1):
            load_band(q, q)

        def plane_body(p, _):
            i = base + p
            t0 = lax.div(i + 64, 128) - 1
            bt = jnp.clip(t0, 0, ntiles - 2)
            row0 = pl.multiple_of(D * i, 8)
            slot = lax.rem(p, NRING)

            @pl.when(p >= 1)
            def _():
                dummy_wait(sem_bs, 256)

            @pl.when(p + NRING - 1 < P)
            def _():
                load_band(p + NRING - 1, lax.rem(p + NRING - 1, NRING))

            dummy_wait(sem_b, 256)

            soff = pl.multiple_of(512 * slot + 128 * (1 + bt - t0), 128)
            pltpu.async_copy(
                s_ref.at[:, pl.ds(soff, 256)],
                out_hbm.at[pl.ds(row0, D),
                           pl.ds(pl.multiple_of(128 * bt, 128), 256)],
                sem_bs)

            for t in range(ntiles):
                @pl.when(jnp.logical_and(t != bt, t != bt + 1))
                def _():
                    src = pl.multiple_of(
                        jnp.where(t < bt, LO, HI), 128)
                    pltpu.async_copy(
                        s_ref.at[:, pl.ds(src, 128)],
                        out_hbm.at[pl.ds(row0, D), pl.ds(128 * t, 128)],
                        sem_s)

            return 0

        lax.fori_loop(0, P, plane_body, 0)

        dummy_wait(sem_bs, 256)

        def drain_body(p, _):
            dummy_wait(sem_s, 896)
            dummy_wait(sem_s, 896)
            return 0

        lax.fori_loop(0, P, drain_body, 0)

    return k


def kernel(q, v, embeddings):
    sq, sv = q.shape[1], v.shape[1]
    K, D = embeddings.shape
    n_shift = 128
    nt = n_shift + 2

    b_all = pl.pallas_call(
        functools.partial(_band_blocks_kernel, K=K, D=D, NT=nt),
        grid=(nt // MB,),
        in_specs=[pl.BlockSpec((K, D), lambda s: (0, 0))],
        out_specs=pl.BlockSpec((MB * D, 256), lambda s: (s, 0)),
        out_shape=jax.ShapeDtypeStruct((nt * D, 256), jnp.float32),
    )(embeddings)

    sck = _build_sc_kernel(sq, sv, D, n_shift)
    out2 = sck(b_all)
    return out2.reshape(sq, D, sv).transpose(0, 2, 1)

# --- scband reference (transcript-rebuilt; emitter-appended) ---
"""Pipeline reference for scband-relative-position-embedding-13554916786665 (READ-ONLY COPY).

The authoritative reference and input builder live on the scoring server;
editing this copy changes nothing except your own understanding.
"""

import jax, jax.numpy as jnp
import numpy as np

INPUT_DIM = 129
OUTPUT_DIM = 64

def setup_inputs(seed: int = 0) -> dict:
    key = jax.random.key(seed)
    k1, k2, k3 = jax.random.split(key, 3)
    q = jax.random.normal(k1, (1, 2048, 1024), dtype=jnp.float32)
    v = jax.random.normal(k2, (1, 2048, 1024), dtype=jnp.float32)
    embeddings = jax.random.normal(k3, (INPUT_DIM, OUTPUT_DIM), dtype=jnp.float32) * 0.02
    return {"q": q, "v": v, "embeddings": embeddings}

def reference(q, v, embeddings):
    max_position = (embeddings.shape[0] - 1) // 2
    sq = q.shape[1]
    sv = v.shape[1]
    q_indices = jnp.arange(sq, dtype=jnp.int32)[:, None]
    v_indices = jnp.arange(sv, dtype=jnp.int32)[None, :]
    pos_ids = v_indices - q_indices
    pos_ids = jnp.clip(pos_ids, -max_position, max_position)
    pos_ids = pos_ids + max_position
    return jnp.take(embeddings, pos_ids, axis=0)

if __name__ == "__main__":
    import jax
    _d = setup_inputs()
    print(jax.jit(kernel)(*tuple(_d.values())))

</pallas_src>

<mosaic_0001>
#map = affine_map<(d0, d1) -> (0, 0)>
module attributes {stable_mosaic.version = 14 : i64} {
  func.func @k(%arg0: i32, %arg1: i32, %arg2: memref<8320x256xf32, #tpu.memory_space<hbm>>, %arg3: memref<131072x2048xf32, #tpu.memory_space<hbm>>, %arg4: memref<64x1536xf32, #tpu.memory_space<vmem>>, %arg5: memref<!tpu.dma_semaphore, #tpu.memory_space<semaphore_mem>>, %arg6: memref<!tpu.dma_semaphore, #tpu.memory_space<semaphore_mem>>, %arg7: memref<!tpu.dma_semaphore, #tpu.memory_space<semaphore_mem>>) attributes {dimension_semantics = [#tpu.dimension_semantics<core_parallel>, #tpu.dimension_semantics<subcore_parallel>], iteration_bounds = array<i64: 2, 16>, scalar_prefetch = 0 : i64, scratch_operands = 4 : i64, tpu.core_type = #tpu.core_type<sc_vector_subcore>, window_params = [{transform_indices = #map}, {transform_indices = #map}]} {
    %mul3A = arith.constant 2 : i32
    %mul3A_0 = arith.muli %arg1, %mul3A : i32
    %add3A = arith.addi %mul3A_0, %arg0 : i32
    %mul3A_1 = arith.constant 64 : i32
    %mul3A_2 = arith.muli %add3A, %mul3A_1 : i32
    "tpu.region"() ({
      %run_scoped3A = tpu.sem_alloc : memref<!tpu.dma_semaphore, #tpu.memory_space<semaphore_mem>>
      %dma_start3A_62 = arith.constant 0 : i32
      %dma_start3A_63 = arith.constant 0 : i32
      %dma_start3A_64 = tpu.memref_slice %arg4[%dma_start3A_62, %dma_start3A_63] : memref<64x1536xf32, #tpu.memory_space<vmem>> -> memref<64x128xf32, #tpu.memory_space<vmem>>
      %dma_start3A_65 = arith.constant 8192 : i32
      %dma_start3A_66 = arith.constant 0 : i32
      %dma_start3A_67 = tpu.memref_slice %arg2[%dma_start3A_65, %dma_start3A_66] : memref<8320x256xf32, #tpu.memory_space<hbm>> -> memref<64x128xf32, #tpu.memory_space<hbm>>
      %dma_start3A_68 = arith.constant 0 : i32
      %dma_start3A_69 = arith.constant 0 : i32
      %dma_start3A_70 = tpu.memref_slice %arg4[%dma_start3A_68, %dma_start3A_69] : memref<64x1536xf32, #tpu.memory_space<vmem>> -> memref<64x128xf32, #tpu.memory_space<vmem>>
      %dma_start3A_71 = arith.constant 8192 : i32
      %dma_start3A_72 = arith.constant 0 : i32
      %dma_start3A_73 = tpu.memref_slice %arg2[%dma_start3A_71, %dma_start3A_72] : memref<8320x256xf32, #tpu.memory_space<hbm>> -> memref<64x128xf32, #tpu.memory_space<hbm>>
      tpu.enqueue_dma source(%dma_start3A_73 : memref<64x128xf32, #tpu.memory_space<hbm>>) target(%dma_start3A_70 : memref<64x128xf32, #tpu.memory_space<vmem>>) target_semaphore(%run_scoped3A : memref<!tpu.dma_semaphore, #tpu.memory_space<semaphore_mem>>)
      %dma_wait3A_74 = arith.constant 0 : i32
      %dma_wait3A_75 = arith.constant 0 : i32
      %dma_wait3A_76 = tpu.memref_slice %arg4[%dma_wait3A_74, %dma_wait3A_75] : memref<64x1536xf32, #tpu.memory_space<vmem>> -> memref<64x128xf32, #tpu.memory_space<vmem>>
      %dma_wait3A_77 = arith.constant 8192 : i32
      %dma_wait3A_78 = arith.constant 0 : i32
      %dma_wait3A_79 = tpu.memref_slice %arg2[%dma_wait3A_77, %dma_wait3A_78] : memref<8320x256xf32, #tpu.memory_space<hbm>> -> memref<64x128xf32, #tpu.memory_space<hbm>>
      %dma_wait3A_80 = arith.constant 0 : i32
      %dma_wait3A_81 = arith.constant 0 : i32
      %dma_wait3A_82 = tpu.memref_slice %arg4[%dma_wait3A_80, %dma_wait3A_81] : memref<64x1536xf32, #tpu.memory_space<vmem>> -> memref<64x128xf32, #tpu.memory_space<vmem>>
      %dma_wait3A_83 = arith.constant 8192 : i32
      %dma_wait3A_84 = arith.constant 0 : i32
      %dma_wait3A_85 = tpu.memref_slice %arg2[%dma_wait3A_83, %dma_wait3A_84] : memref<8320x256xf32, #tpu.memory_space<hbm>> -> memref<64x128xf32, #tpu.memory_space<hbm>>
      tpu.wait_dma2 semaphore(%run_scoped3A : memref<!tpu.dma_semaphore, #tpu.memory_space<semaphore_mem>>) src(%dma_wait3A_85 : memref<64x128xf32, #tpu.memory_space<hbm>>) dst(%dma_wait3A_82 : memref<64x128xf32, #tpu.memory_space<vmem>>)
      tpu.yield
    }) : () -> ()
    "tpu.region"() ({
      %run_scoped3A = tpu.sem_alloc : memref<!tpu.dma_semaphore, #tpu.memory_space<semaphore_mem>>
      %dma_start3A_62 = arith.constant 0 : i32
      %dma_start3A_63 = arith.constant 384 : i32
      %dma_start3A_64 = tpu.memref_slice %arg4[%dma_start3A_62, %dma_start3A_63] : memref<64x1536xf32, #tpu.memory_space<vmem>> -> memref<64x128xf32, #tpu.memory_space<vmem>>
      %dma_start3A_65 = arith.constant 8256 : i32
      %dma_start3A_66 = arith.constant 0 : i32
      %dma_start3A_67 = tpu.memref_slice %arg2[%dma_start3A_65, %dma_start3A_66] : memref<8320x256xf32, #tpu.memory_space<hbm>> -> memref<64x128xf32, #tpu.memory_space<hbm>>
      %dma_start3A_68 = arith.constant 0 : i32
      %dma_start3A_69 = arith.constant 384 : i32
      %dma_start3A_70 = tpu.memref_slice %arg4[%dma_start3A_68, %dma_start3A_69] : memref<64x1536xf32, #tpu.memory_space<vmem>> -> memref<64x128xf32, #tpu.memory_space<vmem>>
      %dma_start3A_71 = arith.constant 8256 : i32
      %dma_start3A_72 = arith.constant 0 : i32
      %dma_start3A_73 = tpu.memref_slice %arg2[%dma_start3A_71, %dma_start3A_72] : memref<8320x256xf32, #tpu.memory_space<hbm>> -> memref<64x128xf32, #tpu.memory_space<hbm>>
      tpu.enqueue_dma source(%dma_start3A_73 : memref<64x128xf32, #tpu.memory_space<hbm>>) target(%dma_start3A_70 : memref<64x128xf32, #tpu.memory_space<vmem>>) target_semaphore(%run_scoped3A : memref<!tpu.dma_semaphore, #tpu.memory_space<semaphore_mem>>)
      %dma_wait3A_74 = arith.constant 0 : i32
      %dma_wait3A_75 = arith.constant 384 : i32
      %dma_wait3A_76 = tpu.memref_slice %arg4[%dma_wait3A_74, %dma_wait3A_75] : memref<64x1536xf32, #tpu.memory_space<vmem>> -> memref<64x128xf32, #tpu.memory_space<vmem>>
      %dma_wait3A_77 = arith.constant 8256 : i32
      %dma_wait3A_78 = arith.constant 0 : i32
      %dma_wait3A_79 = tpu.memref_slice %arg2[%dma_wait3A_77, %dma_wait3A_78] : memref<8320x256xf32, #tpu.memory_space<hbm>> -> memref<64x128xf32, #tpu.memory_space<hbm>>
      %dma_wait3A_80 = arith.constant 0 : i32
      %dma_wait3A_81 = arith.constant 384 : i32
      %dma_wait3A_82 = tpu.memref_slice %arg4[%dma_wait3A_80, %dma_wait3A_81] : memref<64x1536xf32, #tpu.memory_space<vmem>> -> memref<64x128xf32, #tpu.memory_space<vmem>>
      %dma_wait3A_83 = arith.constant 8256 : i32
      %dma_wait3A_84 = arith.constant 0 : i32
      %dma_wait3A_85 = tpu.memref_slice %arg2[%dma_wait3A_83, %dma_wait3A_84] : memref<8320x256xf32, #tpu.memory_space<hbm>> -> memref<64x128xf32, #tpu.memory_space<hbm>>
      tpu.wait_dma2 semaphore(%run_scoped3A : memref<!tpu.dma_semaphore, #tpu.memory_space<semaphore_mem>>) src(%dma_wait3A_85 : memref<64x128xf32, #tpu.memory_space<hbm>>) dst(%dma_wait3A_82 : memref<64x128xf32, #tpu.memory_space<vmem>>)
      tpu.yield
    }) : () -> ()
    "tpu.region"() ({
      %run_scoped3A = tpu.sem_alloc : memref<!tpu.dma_semaphore, #tpu.memory_space<semaphore_mem>>
      %dma_start3A_62 = arith.constant 0 : i32
      %dma_start3A_63 = arith.constant 512 : i32
      %dma_start3A_64 = tpu.memref_slice %arg4[%dma_start3A_62, %dma_start3A_63] : memref<64x1536xf32, #tpu.memory_space<vmem>> -> memref<64x128xf32, #tpu.memory_space<vmem>>
      %dma_start3A_65 = arith.constant 8192 : i32
      %dma_start3A_66 = arith.constant 0 : i32
      %dma_start3A_67 = tpu.memref_slice %arg2[%dma_start3A_65, %dma_start3A_66] : memref<8320x256xf32, #tpu.memory_space<hbm>> -> memref<64x128xf32, #tpu.memory_space<hbm>>
      %dma_start3A_68 = arith.constant 0 : i32
      %dma_start3A_69 = arith.constant 512 : i32
      %dma_start3A_70 = tpu.memref_slice %arg4[%dma_start3A_68, %dma_start3A_69] : memref<64x1536xf32, #tpu.memory_space<vmem>> -> memref<64x128xf32, #tpu.memory_space<vmem>>
      %dma_start3A_71 = arith.constant 8192 : i32
      %dma_start3A_72 = arith.constant 0 : i32
      %dma_start3A_73 = tpu.memref_slice %arg2[%dma_start3A_71, %dma_start3A_72] : memref<8320x256xf32, #tpu.memory_space<hbm>> -> memref<64x128xf32, #tpu.memory_space<hbm>>
      tpu.enqueue_dma source(%dma_start3A_73 : memref<64x128xf32, #tpu.memory_space<hbm>>) target(%dma_start3A_70 : memref<64x128xf32, #tpu.memory_space<vmem>>) target_semaphore(%run_scoped3A : memref<!tpu.dma_semaphore, #tpu.memory_space<semaphore_mem>>)
      %dma_wait3A_74 = arith.constant 0 : i32
      %dma_wait3A_75 = arith.constant 512 : i32
      %dma_wait3A_76 = tpu.memref_slice %arg4[%dma_wait3A_74, %dma_wait3A_75] : memref<64x1536xf32, #tpu.memory_space<vmem>> -> memref<64x128xf32, #tpu.memory_space<vmem>>
      %dma_wait3A_77 = arith.constant 8192 : i32
      %dma_wait3A_78 = arith.constant 0 : i32
      %dma_wait3A_79 = tpu.memref_slice %arg2[%dma_wait3A_77, %dma_wait3A_78] : memref<8320x256xf32, #tpu.memory_space<hbm>> -> memref<64x128xf32, #tpu.memory_space<hbm>>
      %dma_wait3A_80 = arith.constant 0 : i32
      %dma_wait3A_81 = arith.constant 512 : i32
      %dma_wait3A_82 = tpu.memref_slice %arg4[%dma_wait3A_80, %dma_wait3A_81] : memref<64x1536xf32, #tpu.memory_space<vmem>> -> memref<64x128xf32, #tpu.memory_space<vmem>>
      %dma_wait3A_83 = arith.constant 8192 : i32
      %dma_wait3A_84 = arith.constant 0 : i32
      %dma_wait3A_85 = tpu.memref_slice %arg2[%dma_wait3A_83, %dma_wait3A_84] : memref<8320x256xf32, #tpu.memory_space<hbm>> -> memref<64x128xf32, #tpu.memory_space<hbm>>
      tpu.wait_dma2 semaphore(%run_scoped3A : memref<!tpu.dma_semaphore, #tpu.memory_space<semaphore_mem>>) src(%dma_wait3A_85 : memref<64x128xf32, #tpu.memory_space<hbm>>) dst(%dma_wait3A_82 : memref<64x128xf32, #tpu.memory_space<vmem>>)
      tpu.yield
    }) : () -> ()
    "tpu.region"() ({
      %run_scoped3A = tpu.sem_alloc : memref<!tpu.dma_semaphore, #tpu.memory_space<semaphore_mem>>
      %dma_start3A_62 = arith.constant 0 : i32
      %dma_start3A_63 = arith.constant 896 : i32
      %dma_start3A_64 = tpu.memref_slice %arg4[%dma_start3A_62, %dma_start3A_63] : memref<64x1536xf32, #tpu.memory_space<vmem>> -> memref<64x128xf32, #tpu.memory_space<vmem>>
      %dma_start3A_65 = arith.constant 8256 : i32
      %dma_start3A_66 = arith.constant 0 : i32
      %dma_start3A_67 = tpu.memref_slice %arg2[%dma_start3A_65, %dma_start3A_66] : memref<8320x256xf32, #tpu.memory_space<hbm>> -> memref<64x128xf32, #tpu.memory_space<hbm>>
      %dma_start3A_68 = arith.constant 0 : i32
      %dma_start3A_69 = arith.constant 896 : i32
      %dma_start3A_70 = tpu.memref_slice %arg4[%dma_start3A_68, %dma_start3A_69] : memref<64x1536xf32, #tpu.memory_space<vmem>> -> memref<64x128xf32, #tpu.memory_space<vmem>>
      %dma_start3A_71 = arith.constant 8256 : i32
      %dma_start3A_72 = arith.constant 0 : i32
      %dma_start3A_73 = tpu.memref_slice %arg2[%dma_start3A_71, %dma_start3A_72] : memref<8320x256xf32, #tpu.memory_space<hbm>> -> memref<64x128xf32, #tpu.memory_space<hbm>>
      tpu.enqueue_dma source(%dma_start3A_73 : memref<64x128xf32, #tpu.memory_space<hbm>>) target(%dma_start3A_70 : memref<64x128xf32, #tpu.memory_space<vmem>>) target_semaphore(%run_scoped3A : memref<!tpu.dma_semaphore, #tpu.memory_space<semaphore_mem>>)
      %dma_wait3A_74 = arith.constant 0 : i32
      %dma_wait3A_75 = arith.constant 896 : i32
      %dma_wait3A_76 = tpu.memref_slice %arg4[%dma_wait3A_74, %dma_wait3A_75] : memref<64x1536xf32, #tpu.memory_space<vmem>> -> memref<64x128xf32, #tpu.memory_space<vmem>>
      %dma_wait3A_77 = arith.constant 8256 : i32
      %dma_wait3A_78 = arith.constant 0 : i32
      %dma_wait3A_79 = tpu.memref_slice %arg2[%dma_wait3A_77, %dma_wait3A_78] : memref<8320x256xf32, #tpu.memory_space<hbm>> -> memref<64x128xf32, #tpu.memory_space<hbm>>
      %dma_wait3A_80 = arith.constant 0 : i32
      %dma_wait3A_81 = arith.constant 896 : i32
      %dma_wait3A_82 = tpu.memref_slice %arg4[%dma_wait3A_80, %dma_wait3A_81] : memref<64x1536xf32, #tpu.memory_space<vmem>> -> memref<64x128xf32, #tpu.memory_space<vmem>>
      %dma_wait3A_83 = arith.constant 8256 : i32
      %dma_wait3A_84 = arith.constant 0 : i32
      %dma_wait3A_85 = tpu.memref_slice %arg2[%dma_wait3A_83, %dma_wait3A_84] : memref<8320x256xf32, #tpu.memory_space<hbm>> -> memref<64x128xf32, #tpu.memory_space<hbm>>
      tpu.wait_dma2 semaphore(%run_scoped3A : memref<!tpu.dma_semaphore, #tpu.memory_space<semaphore_mem>>) src(%dma_wait3A_85 : memref<64x128xf32, #tpu.memory_space<hbm>>) dst(%dma_wait3A_82 : memref<64x128xf32, #tpu.memory_space<vmem>>)
      tpu.yield
    }) : () -> ()
    "tpu.region"() ({
      %run_scoped3A = tpu.sem_alloc : memref<!tpu.dma_semaphore, #tpu.memory_space<semaphore_mem>>
      %dma_start3A_62 = arith.constant 0 : i32
      %dma_start3A_63 = arith.constant 1024 : i32
      %dma_start3A_64 = tpu.memref_slice %arg4[%dma_start3A_62, %dma_start3A_63] : memref<64x1536xf32, #tpu.memory_space<vmem>> -> memref<64x128xf32, #tpu.memory_space<vmem>>
      %dma_start3A_65 = arith.constant 8192 : i32
      %dma_start3A_66 = arith.constant 0 : i32
      %dma_start3A_67 = tpu.memref_slice %arg2[%dma_start3A_65, %dma_start3A_66] : memref<8320x256xf32, #tpu.memory_space<hbm>> -> memref<64x128xf32, #tpu.memory_space<hbm>>
      %dma_start3A_68 = arith.constant 0 : i32
      %dma_start3A_69 = arith.constant 1024 : i32
      %dma_start3A_70 = tpu.memref_slice %arg4[%dma_start3A_68, %dma_start3A_69] : memref<64x1536xf32, #tpu.memory_space<vmem>> -> memref<64x128xf32, #tpu.memory_space<vmem>>
      %dma_start3A_71 = arith.constant 8192 : i32
      %dma_start3A_72 = arith.constant 0 : i32
      %dma_start3A_73 = tpu.memref_slice %arg2[%dma_start3A_71, %dma_start3A_72] : memref<8320x256xf32, #tpu.memory_space<hbm>> -> memref<64x128xf32, #tpu.memory_space<hbm>>
      tpu.enqueue_dma source(%dma_start3A_73 : memref<64x128xf32, #tpu.memory_space<hbm>>) target(%dma_start3A_70 : memref<64x128xf32, #tpu.memory_space<vmem>>) target_semaphore(%run_scoped3A : memref<!tpu.dma_semaphore, #tpu.memory_space<semaphore_mem>>)
      %dma_wait3A_74 = arith.constant 0 : i32
      %dma_wait3A_75 = arith.constant 1024 : i32
      %dma_wait3A_76 = tpu.memref_slice %arg4[%dma_wait3A_74, %dma_wait3A_75] : memref<64x1536xf32, #tpu.memory_space<vmem>> -> memref<64x128xf32, #tpu.memory_space<vmem>>
      %dma_wait3A_77 = arith.constant 8192 : i32
      %dma_wait3A_78 = arith.constant 0 : i32
      %dma_wait3A_79 = tpu.memref_slice %arg2[%dma_wait3A_77, %dma_wait3A_78] : memref<8320x256xf32, #tpu.memory_space<hbm>> -> memref<64x128xf32, #tpu.memory_space<hbm>>
      %dma_wait3A_80 = arith.constant 0 : i32
      %dma_wait3A_81 = arith.constant 1024 : i32
      %dma_wait3A_82 = tpu.memref_slice %arg4[%dma_wait3A_80, %dma_wait3A_81] : memref<64x1536xf32, #tpu.memory_space<vmem>> -> memref<64x128xf32, #tpu.memory_space<vmem>>
      %dma_wait3A_83 = arith.constant 8192 : i32
      %dma_wait3A_84 = arith.constant 0 : i32
      %dma_wait3A_85 = tpu.memref_slice %arg2[%dma_wait3A_83, %dma_wait3A_84] : memref<8320x256xf32, #tpu.memory_space<hbm>> -> memref<64x128xf32, #tpu.memory_space<hbm>>
      tpu.wait_dma2 semaphore(%run_scoped3A : memref<!tpu.dma_semaphore, #tpu.memory_space<semaphore_mem>>) src(%dma_wait3A_85 : memref<64x128xf32, #tpu.memory_space<hbm>>) dst(%dma_wait3A_82 : memref<64x128xf32, #tpu.memory_space<vmem>>)
      tpu.yield
    }) : () -> ()
    "tpu.region"() ({
      %run_scoped3A = tpu.sem_alloc : memref<!tpu.dma_semaphore, #tpu.memory_space<semaphore_mem>>
      %dma_start3A_62 = arith.constant 0 : i32
      %dma_start3A_63 = arith.constant 1408 : i32
      %dma_start3A_64 = tpu.memref_slice %arg4[%dma_start3A_62, %dma_start3A_63] : memref<64x1536xf32, #tpu.memory_space<vmem>> -> memref<64x128xf32, #tpu.memory_space<vmem>>
      %dma_start3A_65 = arith.constant 8256 : i32
      %dma_start3A_66 = arith.constant 0 : i32
      %dma_start3A_67 = tpu.memref_slice %arg2[%dma_start3A_65, %dma_start3A_66] : memref<8320x256xf32, #tpu.memory_space<hbm>> -> memref<64x128xf32, #tpu.memory_space<hbm>>
      %dma_start3A_68 = arith.constant 0 : i32
      %dma_start3A_69 = arith.constant 1408 : i32
      %dma_start3A_70 = tpu.memref_slice %arg4[%dma_start3A_68, %dma_start3A_69] : memref<64x1536xf32, #tpu.memory_space<vmem>> -> memref<64x128xf32, #tpu.memory_space<vmem>>
      %dma_start3A_71 = arith.constant 8256 : i32
      %dma_start3A_72 = arith.constant 0 : i32
      %dma_start3A_73 = tpu.memref_slice %arg2[%dma_start3A_71, %dma_start3A_72] : memref<8320x256xf32, #tpu.memory_space<hbm>> -> memref<64x128xf32, #tpu.memory_space<hbm>>
      tpu.enqueue_dma source(%dma_start3A_73 : memref<64x128xf32, #tpu.memory_space<hbm>>) target(%dma_start3A_70 : memref<64x128xf32, #tpu.memory_space<vmem>>) target_semaphore(%run_scoped3A : memref<!tpu.dma_semaphore, #tpu.memory_space<semaphore_mem>>)
      %dma_wait3A_74 = arith.constant 0 : i32
      %dma_wait3A_75 = arith.constant 1408 : i32
      %dma_wait3A_76 = tpu.memref_slice %arg4[%dma_wait3A_74, %dma_wait3A_75] : memref<64x1536xf32, #tpu.memory_space<vmem>> -> memref<64x128xf32, #tpu.memory_space<vmem>>
      %dma_wait3A_77 = arith.constant 8256 : i32
      %dma_wait3A_78 = arith.constant 0 : i32
      %dma_wait3A_79 = tpu.memref_slice %arg2[%dma_wait3A_77, %dma_wait3A_78] : memref<8320x256xf32, #tpu.memory_space<hbm>> -> memref<64x128xf32, #tpu.memory_space<hbm>>
      %dma_wait3A_80 = arith.constant 0 : i32
      %dma_wait3A_81 = arith.constant 1408 : i32
      %dma_wait3A_82 = tpu.memref_slice %arg4[%dma_wait3A_80, %dma_wait3A_81] : memref<64x1536xf32, #tpu.memory_space<vmem>> -> memref<64x128xf32, #tpu.memory_space<vmem>>
      %dma_wait3A_83 = arith.constant 8256 : i32
      %dma_wait3A_84 = arith.constant 0 : i32
      %dma_wait3A_85 = tpu.memref_slice %arg2[%dma_wait3A_83, %dma_wait3A_84] : memref<8320x256xf32, #tpu.memory_space<hbm>> -> memref<64x128xf32, #tpu.memory_space<hbm>>
      tpu.wait_dma2 semaphore(%run_scoped3A : memref<!tpu.dma_semaphore, #tpu.memory_space<semaphore_mem>>) src(%dma_wait3A_85 : memref<64x128xf32, #tpu.memory_space<hbm>>) dst(%dma_wait3A_82 : memref<64x128xf32, #tpu.memory_space<vmem>>)
      tpu.yield
    }) : () -> ()
    %add3A_3 = arith.constant 0 : i32
    %add3A_4 = arith.addi %mul3A_2, %add3A_3 : i32
    %add3A_5 = arith.constant 64 : i32
    %add3A_6 = arith.addi %add3A_4, %add3A_5 : i32
    %rem3A = arith.constant 128 : i32
    %rem3A_7 = arith.remsi %add3A_6, %rem3A : i32
    %mul3A_8 = arith.constant 64 : i32
    %mul3A_9 = arith.muli %mul3A_8, %rem3A_7 : i32
    %multiple_of3A = tpu.assume_multiple %mul3A_9, 8 : i32
    %multiple_of3A_10 = arith.constant 128 : i32
    %multiple_of3A_11 = tpu.assume_multiple %multiple_of3A_10, 128 : i32
    %dma_start3A = arith.constant 0 : i32
    %dma_start3A_12 = tpu.memref_slice %arg4[%dma_start3A, %multiple_of3A_11] : memref<64x1536xf32, #tpu.memory_space<vmem>> -> memref<64x256xf32, #tpu.memory_space<vmem>>
    %dma_start3A_13 = arith.constant 0 : i32
    %dma_start3A_14 = tpu.memref_slice %arg2[%multiple_of3A, %dma_start3A_13] : memref<8320x256xf32, #tpu.memory_space<hbm>> -> memref<64x256xf32, #tpu.memory_space<hbm>>
    %dma_start3A_15 = arith.constant 0 : i32
    %dma_start3A_16 = tpu.memref_slice %arg4[%dma_start3A_15, %multiple_of3A_11] : memref<64x1536xf32, #tpu.memory_space<vmem>> -> memref<64x256xf32, #tpu.memory_space<vmem>>
    %dma_start3A_17 = arith.constant 0 : i32
    %dma_start3A_18 = tpu.memref_slice %arg2[%multiple_of3A, %dma_start3A_17] : memref<8320x256xf32, #tpu.memory_space<hbm>> -> memref<64x256xf32, #tpu.memory_space<hbm>>
    tpu.enqueue_dma source(%dma_start3A_18 : memref<64x256xf32, #tpu.memory_space<hbm>>) target(%dma_start3A_16 : memref<64x256xf32, #tpu.memory_space<vmem>>) target_semaphore(%arg5 : memref<!tpu.dma_semaphore, #tpu.memory_space<semaphore_mem>>)
    %add3A_19 = arith.constant 1 : i32
    %add3A_20 = arith.addi %mul3A_2, %add3A_19 : i32
    %add3A_21 = arith.constant 64 : i32
    %add3A_22 = arith.addi %add3A_20, %add3A_21 : i32
    %rem3A_23 = arith.constant 128 : i32
    %rem3A_24 = arith.remsi %add3A_22, %rem3A_23 : i32
    %mul3A_25 = arith.constant 64 : i32
    %mul3A_26 = arith.muli %mul3A_25, %rem3A_24 : i32
    %multiple_of3A_27 = tpu.assume_multiple %mul3A_26, 8 : i32
    %multiple_of3A_28 = arith.constant 640 : i32
    %multiple_of3A_29 = tpu.assume_multiple %multiple_of3A_28, 128 : i32
    %dma_start3A_30 = arith.constant 0 : i32
    %dma_start3A_31 = tpu.memref_slice %arg4[%dma_start3A_30, %multiple_of3A_29] : memref<64x1536xf32, #tpu.memory_space<vmem>> -> memref<64x256xf32, #tpu.memory_space<vmem>>
    %dma_start3A_32 = arith.constant 0 : i32
    %dma_start3A_33 = tpu.memref_slice %arg2[%multiple_of3A_27, %dma_start3A_32] : memref<8320x256xf32, #tpu.memory_space<hbm>> -> memref<64x256xf32, #tpu.memory_space<hbm>>
    %dma_start3A_34 = arith.constant 0 : i32
    %dma_start3A_35 = tpu.memref_slice %arg4[%dma_start3A_34, %multiple_of3A_29] : memref<64x1536xf32, #tpu.memory_space<vmem>> -> memref<64x256xf32, #tpu.memory_space<vmem>>
    %dma_start3A_36 = arith.constant 0 : i32
    %dma_start3A_37 = tpu.memref_slice %arg2[%multiple_of3A_27, %dma_start3A_36] : memref<8320x256xf32, #tpu.memory_space<hbm>> -> memref<64x256xf32, #tpu.memory_space<hbm>>
    tpu.enqueue_dma source(%dma_start3A_37 : memref<64x256xf32, #tpu.memory_space<hbm>>) target(%dma_start3A_35 : memref<64x256xf32, #tpu.memory_space<vmem>>) target_semaphore(%arg5 : memref<!tpu.dma_semaphore, #tpu.memory_space<semaphore_mem>>)
    %scan3A = arith.constant 0 : i32
    %scan3A_38 = arith.constant 0 : i32
    %scan3A_39 = arith.constant 64 : i32
    %scan3A_40 = arith.addi %scan3A_38, %scan3A_39 : i32
    %scan3A_41 = arith.constant 1 : i32
    %scan3A_42 = scf.for %scan3A_62 = %scan3A_38 to %scan3A_40 step %scan3A_41 iter_args(%scan3A_63 = %scan3A) -> (i32)  : i32 {
      %add3A_64 = arith.addi %mul3A_2, %scan3A_62 : i32
      %add3A_65 = arith.constant 64 : i32
      %add3A_66 = arith.addi %add3A_64, %add3A_65 : i32
      %div3A = arith.constant 128 : i32
      %div3A_67 = arith.divsi %add3A_66, %div3A : i32
      %sub3A = arith.constant 1 : i32
      %sub3A_68 = arith.subi %div3A_67, %sub3A : i32
      %jit3A = arith.constant 0 : i32
      %jit3A_69 = arith.constant 14 : i32
      %max3A = arith.maxsi %jit3A, %sub3A_68 : i32
      %min3A = arith.minsi %jit3A_69, %max3A : i32
      %mul3A_70 = arith.constant 64 : i32
      %mul3A_71 = arith.muli %mul3A_70, %add3A_64 : i32
      %multiple_of3A_72 = tpu.assume_multiple %mul3A_71, 8 : i32
      %rem3A_73 = arith.constant 3 : i32
      %rem3A_74 = arith.remsi %scan3A_62, %rem3A_73 : i32
      %ge3A = arith.constant 1 : i32
      %ge3A_75 = arith.cmpi sge, %scan3A_62, %ge3A : i32
      %convert_element_type3A = arith.extui %ge3A_75 : i1 to i32
      %cond3A = arith.constant 0 : i32
      %cond3A_76 = arith.cmpi ne, %convert_element_type3A, %cond3A : i32
      scf.if %cond3A_76 {
        %dma_wait3A_274 = arith.constant 0 : i32
        %dma_wait3A_275 = arith.constant 0 : i32
        %dma_wait3A_276 = tpu.memref_slice %arg4[%dma_wait3A_274, %dma_wait3A_275] : memref<64x1536xf32, #tpu.memory_space<vmem>> -> memref<64x256xf32, #tpu.memory_space<vmem>>
        %dma_wait3A_277 = arith.constant 0 : i32
        %dma_wait3A_278 = arith.constant 0 : i32
        %dma_wait3A_279 = tpu.memref_slice %arg3[%dma_wait3A_277, %dma_wait3A_278] : memref<131072x2048xf32, #tpu.memory_space<hbm>> -> memref<64x256xf32, #tpu.memory_space<hbm>>
        %dma_wait3A_280 = arith.constant 0 : i32
        %dma_wait3A_281 = arith.constant 0 : i32
        %dma_wait3A_282 = tpu.memref_slice %arg4[%dma_wait3A_280, %dma_wait3A_281] : memref<64x1536xf32, #tpu.memory_space<vmem>> -> memref<64x256xf32, #tpu.memory_space<vmem>>
        %dma_wait3A_283 = arith.constant 0 : i32
        %dma_wait3A_284 = arith.constant 0 : i32
        %dma_wait3A_285 = tpu.memref_slice %arg3[%dma_wait3A_283, %dma_wait3A_284] : memref<131072x2048xf32, #tpu.memory_space<hbm>> -> memref<64x256xf32, #tpu.memory_space<hbm>>
        tpu.wait_dma2 semaphore(%arg6 : memref<!tpu.dma_semaphore, #tpu.memory_space<semaphore_mem>>) src(%dma_wait3A_285 : memref<64x256xf32, #tpu.memory_space<hbm>>) dst(%dma_wait3A_282 : memref<64x256xf32, #tpu.memory_space<vmem>>)
      } else {
      }
      %add3A_77 = arith.constant 3 : i32
      %add3A_78 = arith.addi %scan3A_62, %add3A_77 : i32
      %sub3A_79 = arith.constant 1 : i32
      %sub3A_80 = arith.subi %add3A_78, %sub3A_79 : i32
      %lt3A = arith.constant 64 : i32
      %lt3A_81 = arith.cmpi slt, %sub3A_80, %lt3A : i32
      %convert_element_type3A_82 = arith.extui %lt3A_81 : i1 to i32
      %cond3A_83 = arith.constant 0 : i32
      %cond3A_84 = arith.cmpi ne, %convert_element_type3A_82, %cond3A_83 : i32
      scf.if %cond3A_84 {
        %add3A_274 = arith.constant 3 : i32
        %add3A_275 = arith.addi %scan3A_62, %add3A_274 : i32
        %sub3A_276 = arith.constant 1 : i32
        %sub3A_277 = arith.subi %add3A_275, %sub3A_276 : i32
        %add3A_278 = arith.constant 3 : i32
        %add3A_279 = arith.addi %scan3A_62, %add3A_278 : i32
        %sub3A_280 = arith.constant 1 : i32
        %sub3A_281 = arith.subi %add3A_279, %sub3A_280 : i32
        %rem3A_282 = arith.constant 3 : i32
        %rem3A_283 = arith.remsi %sub3A_281, %rem3A_282 : i32
        %add3A_284 = arith.addi %mul3A_2, %sub3A_277 : i32
        %add3A_285 = arith.constant 64 : i32
        %add3A_286 = arith.addi %add3A_284, %add3A_285 : i32
        %rem3A_287 = arith.constant 128 : i32
        %rem3A_288 = arith.remsi %add3A_286, %rem3A_287 : i32
        %mul3A_289 = arith.constant 64 : i32
        %mul3A_290 = arith.muli %mul3A_289, %rem3A_288 : i32
        %multiple_of3A_291 = tpu.assume_multiple %mul3A_290, 8 : i32
        %mul3A_292 = arith.constant 512 : i32
        %mul3A_293 = arith.muli %mul3A_292, %rem3A_283 : i32
        %add3A_294 = arith.constant 128 : i32
        %add3A_295 = arith.addi %mul3A_293, %add3A_294 : i32
        %multiple_of3A_296 = tpu.assume_multiple %add3A_295, 128 : i32
        %dma_start3A_297 = arith.constant 0 : i32
        %dma_start3A_298 = tpu.memref_slice %arg4[%dma_start3A_297, %multiple_of3A_296] : memref<64x1536xf32, #tpu.memory_space<vmem>> -> memref<64x256xf32, #tpu.memory_space<vmem>>
        %dma_start3A_299 = arith.constant 0 : i32
        %dma_start3A_300 = tpu.memref_slice %arg2[%multiple_of3A_291, %dma_start3A_299] : memref<8320x256xf32, #tpu.memory_space<hbm>> -> memref<64x256xf32, #tpu.memory_space<hbm>>
        %dma_start3A_301 = arith.constant 0 : i32
        %dma_start3A_302 = tpu.memref_slice %arg4[%dma_start3A_301, %multiple_of3A_296] : memref<64x1536xf32, #tpu.memory_space<vmem>> -> memref<64x256xf32, #tpu.memory_space<vmem>>
        %dma_start3A_303 = arith.constant 0 : i32
        %dma_start3A_304 = tpu.memref_slice %arg2[%multiple_of3A_291, %dma_start3A_303] : memref<8320x256xf32, #tpu.memory_space<hbm>> -> memref<64x256xf32, #tpu.memory_space<hbm>>
        tpu.enqueue_dma source(%dma_start3A_304 : memref<64x256xf32, #tpu.memory_space<hbm>>) target(%dma_start3A_302 : memref<64x256xf32, #tpu.memory_space<vmem>>) target_semaphore(%arg5 : memref<!tpu.dma_semaphore, #tpu.memory_space<semaphore_mem>>)
      } else {
      }
      %dma_wait3A_85 = arith.constant 0 : i32
      %dma_wait3A_86 = arith.constant 0 : i32
      %dma_wait3A_87 = tpu.memref_slice %arg4[%dma_wait3A_85, %dma_wait3A_86] : memref<64x1536xf32, #tpu.memory_space<vmem>> -> memref<64x256xf32, #tpu.memory_space<vmem>>
      %dma_wait3A_88 = arith.constant 0 : i32
      %dma_wait3A_89 = arith.constant 0 : i32
      %dma_wait3A_90 = tpu.memref_slice %arg3[%dma_wait3A_88, %dma_wait3A_89] : memref<131072x2048xf32, #tpu.memory_space<hbm>> -> memref<64x256xf32, #tpu.memory_space<hbm>>
      %dma_wait3A_91 = arith.constant 0 : i32
      %dma_wait3A_92 = arith.constant 0 : i32
      %dma_wait3A_93 = tpu.memref_slice %arg4[%dma_wait3A_91, %dma_wait3A_92] : memref<64x1536xf32, #tpu.memory_space<vmem>> -> memref<64x256xf32, #tpu.memory_space<vmem>>
      %dma_wait3A_94 = arith.constant 0 : i32
      %dma_wait3A_95 = arith.constant 0 : i32
      %dma_wait3A_96 = tpu.memref_slice %arg3[%dma_wait3A_94, %dma_wait3A_95] : memref<131072x2048xf32, #tpu.memory_space<hbm>> -> memref<64x256xf32, #tpu.memory_space<hbm>>
      tpu.wait_dma2 semaphore(%arg5 : memref<!tpu.dma_semaphore, #tpu.memory_space<semaphore_mem>>) src(%dma_wait3A_96 : memref<64x256xf32, #tpu.memory_space<hbm>>) dst(%dma_wait3A_93 : memref<64x256xf32, #tpu.memory_space<vmem>>)
      %mul3A_97 = arith.constant 512 : i32
      %mul3A_98 = arith.muli %mul3A_97, %rem3A_74 : i32
      %add3A_99 = arith.constant 1 : i32
      %add3A_100 = arith.addi %add3A_99, %min3A : i32
      %sub3A_101 = arith.subi %add3A_100, %sub3A_68 : i32
      %mul3A_102 = arith.constant 128 : i32
      %mul3A_103 = arith.muli %mul3A_102, %sub3A_101 : i32
      %add3A_104 = arith.addi %mul3A_98, %mul3A_103 : i32
      %multiple_of3A_105 = tpu.assume_multiple %add3A_104, 128 : i32
      %mul3A_106 = arith.constant 128 : i32
      %mul3A_107 = arith.muli %mul3A_106, %min3A : i32
      %multiple_of3A_108 = tpu.assume_multiple %mul3A_107, 128 : i32
      %dma_start3A_109 = arith.constant 0 : i32
      %dma_start3A_110 = tpu.memref_slice %arg4[%dma_start3A_109, %multiple_of3A_105] : memref<64x1536xf32, #tpu.memory_space<vmem>> -> memref<64x256xf32, #tpu.memory_space<vmem>>
      %dma_start3A_111 = tpu.memref_slice %arg3[%multiple_of3A_72, %multiple_of3A_108] : memref<131072x2048xf32, #tpu.memory_space<hbm>> -> memref<64x256xf32, #tpu.memory_space<hbm>>
      %dma_start3A_112 = tpu.memref_slice %arg3[%multiple_of3A_72, %multiple_of3A_108] : memref<131072x2048xf32, #tpu.memory_space<hbm>> -> memref<64x256xf32, #tpu.memory_space<hbm>>
      %dma_start3A_113 = arith.constant 0 : i32
      %dma_start3A_114 = tpu.memref_slice %arg4[%dma_start3A_113, %multiple_of3A_105] : memref<64x1536xf32, #tpu.memory_space<vmem>> -> memref<64x256xf32, #tpu.memory_space<vmem>>
      tpu.enqueue_dma source(%dma_start3A_114 : memref<64x256xf32, #tpu.memory_space<vmem>>) target(%dma_start3A_112 : memref<64x256xf32, #tpu.memory_space<hbm>>) target_semaphore(%arg6 : memref<!tpu.dma_semaphore, #tpu.memory_space<semaphore_mem>>)
      %ne3A = arith.constant 0 : i32
      %ne3A_115 = arith.cmpi ne, %min3A, %ne3A : i32
      %add3A_116 = arith.constant 1 : i32
      %add3A_117 = arith.addi %min3A, %add3A_116 : i32
      %ne3A_118 = arith.constant 0 : i32
      %ne3A_119 = arith.cmpi ne, %add3A_117, %ne3A_118 : i32
      %and3A = arith.andi %ne3A_115, %ne3A_119 : i1
      %convert_element_type3A_120 = arith.extui %and3A : i1 to i32
      %cond3A_121 = arith.constant 0 : i32
      %cond3A_122 = arith.cmpi ne, %convert_element_type3A_120, %cond3A_121 : i32
      scf.if %cond3A_122 {
        %gt3A = arith.constant 0 : i32
        %gt3A_274 = arith.cmpi sgt, %min3A, %gt3A : i32
        %jit3A_275 = arith.constant 0 : i32
        %jit3A_276 = arith.constant 384 : i32
        %select_n3A = arith.select %gt3A_274, %jit3A_275, %jit3A_276 : i32
        %multiple_of3A_277 = tpu.assume_multiple %select_n3A, 128 : i32
        %dma_start3A_278 = arith.constant 0 : i32
        %dma_start3A_279 = tpu.memref_slice %arg4[%dma_start3A_278, %multiple_of3A_277] : memref<64x1536xf32, #tpu.memory_space<vmem>> -> memref<64x128xf32, #tpu.memory_space<vmem>>
        %dma_start3A_280 = arith.constant 0 : i32
        %dma_start3A_281 = tpu.memref_slice %arg3[%multiple_of3A_72, %dma_start3A_280] : memref<131072x2048xf32, #tpu.memory_space<hbm>> -> memref<64x128xf32, #tpu.memory_space<hbm>>
        %dma_start3A_282 = arith.constant 0 : i32
        %dma_start3A_283 = tpu.memref_slice %arg3[%multiple_of3A_72, %dma_start3A_282] : memref<131072x2048xf32, #tpu.memory_space<hbm>> -> memref<64x128xf32, #tpu.memory_space<hbm>>
        %dma_start3A_284 = arith.constant 0 : i32
        %dma_start3A_285 = tpu.memref_slice %arg4[%dma_start3A_284, %multiple_of3A_277] : memref<64x1536xf32, #tpu.memory_space<vmem>> -> memref<64x128xf32, #tpu.memory_space<vmem>>
        tpu.enqueue_dma source(%dma_start3A_285 : memref<64x128xf32, #tpu.memory_space<vmem>>) target(%dma_start3A_283 : memref<64x128xf32, #tpu.memory_space<hbm>>) target_semaphore(%arg7 : memref<!tpu.dma_semaphore, #tpu.memory_space<semaphore_mem>>)
      } else {
      }
      %ne3A_123 = arith.constant 1 : i32
      %ne3A_124 = arith.cmpi ne, %min3A, %ne3A_123 : i32
      %add3A_125 = arith.constant 1 : i32
      %add3A_126 = arith.addi %min3A, %add3A_125 : i32
      %ne3A_127 = arith.constant 1 : i32
      %ne3A_128 = arith.cmpi ne, %add3A_126, %ne3A_127 : i32
      %and3A_129 = arith.andi %ne3A_124, %ne3A_128 : i1
      %convert_element_type3A_130 = arith.extui %and3A_129 : i1 to i32
      %cond3A_131 = arith.constant 0 : i32
      %cond3A_132 = arith.cmpi ne, %convert_element_type3A_130, %cond3A_131 : i32
      scf.if %cond3A_132 {
        %gt3A = arith.constant 1 : i32
        %gt3A_274 = arith.cmpi sgt, %min3A, %gt3A : i32
        %jit3A_275 = arith.constant 0 : i32
        %jit3A_276 = arith.constant 384 : i32
        %select_n3A = arith.select %gt3A_274, %jit3A_275, %jit3A_276 : i32
        %multiple_of3A_277 = tpu.assume_multiple %select_n3A, 128 : i32
        %dma_start3A_278 = arith.constant 0 : i32
        %dma_start3A_279 = tpu.memref_slice %arg4[%dma_start3A_278, %multiple_of3A_277] : memref<64x1536xf32, #tpu.memory_space<vmem>> -> memref<64x128xf32, #tpu.memory_space<vmem>>
        %dma_start3A_280 = arith.constant 128 : i32
        %dma_start3A_281 = tpu.memref_slice %arg3[%multiple_of3A_72, %dma_start3A_280] : memref<131072x2048xf32, #tpu.memory_space<hbm>> -> memref<64x128xf32, #tpu.memory_space<hbm>>
        %dma_start3A_282 = arith.constant 128 : i32
        %dma_start3A_283 = tpu.memref_slice %arg3[%multiple_of3A_72, %dma_start3A_282] : memref<131072x2048xf32, #tpu.memory_space<hbm>> -> memref<64x128xf32, #tpu.memory_space<hbm>>
        %dma_start3A_284 = arith.constant 0 : i32
        %dma_start3A_285 = tpu.memref_slice %arg4[%dma_start3A_284, %multiple_of3A_277] : memref<64x1536xf32, #tpu.memory_space<vmem>> -> memref<64x128xf32, #tpu.memory_space<vmem>>
        tpu.enqueue_dma source(%dma_start3A_285 : memref<64x128xf32, #tpu.memory_space<vmem>>) target(%dma_start3A_283 : memref<64x128xf32, #tpu.memory_space<hbm>>) target_semaphore(%arg7 : memref<!tpu.dma_semaphore, #tpu.memory_space<semaphore_mem>>)
      } else {
      }
      %ne3A_133 = arith.constant 2 : i32
      %ne3A_134 = arith.cmpi ne, %min3A, %ne3A_133 : i32
      %add3A_135 = arith.constant 1 : i32
      %add3A_136 = arith.addi %min3A, %add3A_135 : i32
      %ne3A_137 = arith.constant 2 : i32
      %ne3A_138 = arith.cmpi ne, %add3A_136, %ne3A_137 : i32
      %and3A_139 = arith.andi %ne3A_134, %ne3A_138 : i1
      %convert_element_type3A_140 = arith.extui %and3A_139 : i1 to i32
      %cond3A_141 = arith.constant 0 : i32
      %cond3A_142 = arith.cmpi ne, %convert_element_type3A_140, %cond3A_141 : i32
      scf.if %cond3A_142 {
        %gt3A = arith.constant 2 : i32
        %gt3A_274 = arith.cmpi sgt, %min3A, %gt3A : i32
        %jit3A_275 = arith.constant 0 : i32
        %jit3A_276 = arith.constant 384 : i32
        %select_n3A = arith.select %gt3A_274, %jit3A_275, %jit3A_276 : i32
        %multiple_of3A_277 = tpu.assume_multiple %select_n3A, 128 : i32
        %dma_start3A_278 = arith.constant 0 : i32
        %dma_start3A_279 = tpu.memref_slice %arg4[%dma_start3A_278, %multiple_of3A_277] : memref<64x1536xf32, #tpu.memory_space<vmem>> -> memref<64x128xf32, #tpu.memory_space<vmem>>
        %dma_start3A_280 = arith.constant 256 : i32
        %dma_start3A_281 = tpu.memref_slice %arg3[%multiple_of3A_72, %dma_start3A_280] : memref<131072x2048xf32, #tpu.memory_space<hbm>> -> memref<64x128xf32, #tpu.memory_space<hbm>>
        %dma_start3A_282 = arith.constant 256 : i32
        %dma_start3A_283 = tpu.memref_slice %arg3[%multiple_of3A_72, %dma_start3A_282] : memref<131072x2048xf32, #tpu.memory_space<hbm>> -> memref<64x128xf32, #tpu.memory_space<hbm>>
        %dma_start3A_284 = arith.constant 0 : i32
        %dma_start3A_285 = tpu.memref_slice %arg4[%dma_start3A_284, %multiple_of3A_277] : memref<64x1536xf32, #tpu.memory_space<vmem>> -> memref<64x128xf32, #tpu.memory_space<vmem>>
        tpu.enqueue_dma source(%dma_start3A_285 : memref<64x128xf32, #tpu.memory_space<vmem>>) target(%dma_start3A_283 : memref<64x128xf32, #tpu.memory_space<hbm>>) target_semaphore(%arg7 : memref<!tpu.dma_semaphore, #tpu.memory_space<semaphore_mem>>)
      } else {
      }
      %ne3A_143 = arith.constant 3 : i32
      %ne3A_144 = arith.cmpi ne, %min3A, %ne3A_143 : i32
      %add3A_145 = arith.constant 1 : i32
      %add3A_146 = arith.addi %min3A, %add3A_145 : i32
      %ne3A_147 = arith.constant 3 : i32
      %ne3A_148 = arith.cmpi ne, %add3A_146, %ne3A_147 : i32
      %and3A_149 = arith.andi %ne3A_144, %ne3A_148 : i1
      %convert_element_type3A_150 = arith.extui %and3A_149 : i1 to i32
      %cond3A_151 = arith.constant 0 : i32
      %cond3A_152 = arith.cmpi ne, %convert_element_type3A_150, %cond3A_151 : i32
      scf.if %cond3A_152 {
        %gt3A = arith.constant 3 : i32
        %gt3A_274 = arith.cmpi sgt, %min3A, %gt3A : i32
        %jit3A_275 = arith.constant 0 : i32
        %jit3A_276 = arith.constant 384 : i32
        %select_n3A = arith.select %gt3A_274, %jit3A_275, %jit3A_276 : i32
        %multiple_of3A_277 = tpu.assume_multiple %select_n3A, 128 : i32
        %dma_start3A_278 = arith.constant 0 : i32
        %dma_start3A_279 = tpu.memref_slice %arg4[%dma_start3A_278, %multiple_of3A_277] : memref<64x1536xf32, #tpu.memory_space<vmem>> -> memref<64x128xf32, #tpu.memory_space<vmem>>
        %dma_start3A_280 = arith.constant 384 : i32
        %dma_start3A_281 = tpu.memref_slice %arg3[%multiple_of3A_72, %dma_start3A_280] : memref<131072x2048xf32, #tpu.memory_space<hbm>> -> memref<64x128xf32, #tpu.memory_space<hbm>>
        %dma_start3A_282 = arith.constant 384 : i32
        %dma_start3A_283 = tpu.memref_slice %arg3[%multiple_of3A_72, %dma_start3A_282] : memref<131072x2048xf32, #tpu.memory_space<hbm>> -> memref<64x128xf32, #tpu.memory_space<hbm>>
        %dma_start3A_284 = arith.constant 0 : i32
        %dma_start3A_285 = tpu.memref_slice %arg4[%dma_start3A_284, %multiple_of3A_277] : memref<64x1536xf32, #tpu.memory_space<vmem>> -> memref<64x128xf32, #tpu.memory_space<vmem>>
        tpu.enqueue_dma source(%dma_start3A_285 : memref<64x128xf32, #tpu.memory_space<vmem>>) target(%dma_start3A_283 : memref<64x128xf32, #tpu.memory_space<hbm>>) target_semaphore(%arg7 : memref<!tpu.dma_semaphore, #tpu.memory_space<semaphore_mem>>)
      } else {
      }
      %ne3A_153 = arith.constant 4 : i32
      %ne3A_154 = arith.cmpi ne, %min3A, %ne3A_153 : i32
      %add3A_155 = arith.constant 1 : i32
      %add3A_156 = arith.addi %min3A, %add3A_155 : i32
      %ne3A_157 = arith.constant 4 : i32
      %ne3A_158 = arith.cmpi ne, %add3A_156, %ne3A_157 : i32
      %and3A_159 = arith.andi %ne3A_154, %ne3A_158 : i1
      %convert_element_type3A_160 = arith.extui %and3A_159 : i1 to i32
      %cond3A_161 = arith.constant 0 : i32
      %cond3A_162 = arith.cmpi ne, %convert_element_type3A_160, %cond3A_161 : i32
      scf.if %cond3A_162 {
        %gt3A = arith.constant 4 : i32
        %gt3A_274 = arith.cmpi sgt, %min3A, %gt3A : i32
        %jit3A_275 = arith.constant 0 : i32
        %jit3A_276 = arith.constant 384 : i32
        %select_n3A = arith.select %gt3A_274, %jit3A_275, %jit3A_276 : i32
        %multiple_of3A_277 = tpu.assume_multiple %select_n3A, 128 : i32
        %dma_start3A_278 = arith.constant 0 : i32
        %dma_start3A_279 = tpu.memref_slice %arg4[%dma_start3A_278, %multiple_of3A_277] : memref<64x1536xf32, #tpu.memory_space<vmem>> -> memref<64x128xf32, #tpu.memory_space<vmem>>
        %dma_start3A_280 = arith.constant 512 : i32
        %dma_start3A_281 = tpu.memref_slice %arg3[%multiple_of3A_72, %dma_start3A_280] : memref<131072x2048xf32, #tpu.memory_space<hbm>> -> memref<64x128xf32, #tpu.memory_space<hbm>>
        %dma_start3A_282 = arith.constant 512 : i32
        %dma_start3A_283 = tpu.memref_slice %arg3[%multiple_of3A_72, %dma_start3A_282] : memref<131072x2048xf32, #tpu.memory_space<hbm>> -> memref<64x128xf32, #tpu.memory_space<hbm>>
        %dma_start3A_284 = arith.constant 0 : i32
        %dma_start3A_285 = tpu.memref_slice %arg4[%dma_start3A_284, %multiple_of3A_277] : memref<64x1536xf32, #tpu.memory_space<vmem>> -> memref<64x128xf32, #tpu.memory_space<vmem>>
        tpu.enqueue_dma source(%dma_start3A_285 : memref<64x128xf32, #tpu.memory_space<vmem>>) target(%dma_start3A_283 : memref<64x128xf32, #tpu.memory_space<hbm>>) target_semaphore(%arg7 : memref<!tpu.dma_semaphore, #tpu.memory_space<semaphore_mem>>)
      } else {
      }
      %ne3A_163 = arith.constant 5 : i32
      %ne3A_164 = arith.cmpi ne, %min3A, %ne3A_163 : i32
      %add3A_165 = arith.constant 1 : i32
      %add3A_166 = arith.addi %min3A, %add3A_165 : i32
      %ne3A_167 = arith.constant 5 : i32
      %ne3A_168 = arith.cmpi ne, %add3A_166, %ne3A_167 : i32
      %and3A_169 = arith.andi %ne3A_164, %ne3A_168 : i1
      %convert_element_type3A_170 = arith.extui %and3A_169 : i1 to i32
      %cond3A_171 = arith.constant 0 : i32
      %cond3A_172 = arith.cmpi ne, %convert_element_type3A_170, %cond3A_171 : i32
      scf.if %cond3A_172 {
        %gt3A = arith.constant 5 : i32
        %gt3A_274 = arith.cmpi sgt, %min3A, %gt3A : i32
        %jit3A_275 = arith.constant 0 : i32
        %jit3A_276 = arith.constant 384 : i32
        %select_n3A = arith.select %gt3A_274, %jit3A_275, %jit3A_276 : i32
        %multiple_of3A_277 = tpu.assume_multiple %select_n3A, 128 : i32
        %dma_start3A_278 = arith.constant 0 : i32
        %dma_start3A_279 = tpu.memref_slice %arg4[%dma_start3A_278, %multiple_of3A_277] : memref<64x1536xf32, #tpu.memory_space<vmem>> -> memref<64x128xf32, #tpu.memory_space<vmem>>
        %dma_start3A_280 = arith.constant 640 : i32
        %dma_start3A_281 = tpu.memref_slice %arg3[%multiple_of3A_72, %dma_start3A_280] : memref<131072x2048xf32, #tpu.memory_space<hbm>> -> memref<64x128xf32, #tpu.memory_space<hbm>>
        %dma_start3A_282 = arith.constant 640 : i32
        %dma_start3A_283 = tpu.memref_slice %arg3[%multiple_of3A_72, %dma_start3A_282] : memref<131072x2048xf32, #tpu.memory_space<hbm>> -> memref<64x128xf32, #tpu.memory_space<hbm>>
        %dma_start3A_284 = arith.constant 0 : i32
        %dma_start3A_285 = tpu.memref_slice %arg4[%dma_start3A_284, %multiple_of3A_277] : memref<64x1536xf32, #tpu.memory_space<vmem>> -> memref<64x128xf32, #tpu.memory_space<vmem>>
        tpu.enqueue_dma source(%dma_start3A_285 : memref<64x128xf32, #tpu.memory_space<vmem>>) target(%dma_start3A_283 : memref<64x128xf32, #tpu.memory_space<hbm>>) target_semaphore(%arg7 : memref<!tpu.dma_semaphore, #tpu.memory_space<semaphore_mem>>)
      } else {
      }
      %ne3A_173 = arith.constant 6 : i32
      %ne3A_174 = arith.cmpi ne, %min3A, %ne3A_173 : i32
      %add3A_175 = arith.constant 1 : i32
      %add3A_176 = arith.addi %min3A, %add3A_175 : i32
      %ne3A_177 = arith.constant 6 : i32
      %ne3A_178 = arith.cmpi ne, %add3A_176, %ne3A_177 : i32
      %and3A_179 = arith.andi %ne3A_174, %ne3A_178 : i1
      %convert_element_type3A_180 = arith.extui %and3A_179 : i1 to i32
      %cond3A_181 = arith.constant 0 : i32
      %cond3A_182 = arith.cmpi ne, %convert_element_type3A_180, %cond3A_181 : i32
      scf.if %cond3A_182 {
        %gt3A = arith.constant 6 : i32
        %gt3A_274 = arith.cmpi sgt, %min3A, %gt3A : i32
        %jit3A_275 = arith.constant 0 : i32
        %jit3A_276 = arith.constant 384 : i32
        %select_n3A = arith.select %gt3A_274, %jit3A_275, %jit3A_276 : i32
        %multiple_of3A_277 = tpu.assume_multiple %select_n3A, 128 : i32
        %dma_start3A_278 = arith.constant 0 : i32
        %dma_start3A_279 = tpu.memref_slice %arg4[%dma_start3A_278, %multiple_of3A_277] : memref<64x1536xf32, #tpu.memory_space<vmem>> -> memref<64x128xf32, #tpu.memory_space<vmem>>
        %dma_start3A_280 = arith.constant 768 : i32
        %dma_start3A_281 = tpu.memref_slice %arg3[%multiple_of3A_72, %dma_start3A_280] : memref<131072x2048xf32, #tpu.memory_space<hbm>> -> memref<64x128xf32, #tpu.memory_space<hbm>>
        %dma_start3A_282 = arith.constant 768 : i32
        %dma_start3A_283 = tpu.memref_slice %arg3[%multiple_of3A_72, %dma_start3A_282] : memref<131072x2048xf32, #tpu.memory_space<hbm>> -> memref<64x128xf32, #tpu.memory_space<hbm>>
        %dma_start3A_284 = arith.constant 0 : i32
        %dma_start3A_285 = tpu.memref_slice %arg4[%dma_start3A_284, %multiple_of3A_277] : memref<64x1536xf32, #tpu.memory_space<vmem>> -> memref<64x128xf32, #tpu.memory_space<vmem>>
        tpu.enqueue_dma source(%dma_start3A_285 : memref<64x128xf32, #tpu.memory_space<vmem>>) target(%dma_start3A_283 : memref<64x128xf32, #tpu.memory_space<hbm>>) target_semaphore(%arg7 : memref<!tpu.dma_semaphore, #tpu.memory_space<semaphore_mem>>)
      } else {
      }
      %ne3A_183 = arith.constant 7 : i32
      %ne3A_184 = arith.cmpi ne, %min3A, %ne3A_183 : i32
      %add3A_185 = arith.constant 1 : i32
      %add3A_186 = arith.addi %min3A, %add3A_185 : i32
      %ne3A_187 = arith.constant 7 : i32
      %ne3A_188 = arith.cmpi ne, %add3A_186, %ne3A_187 : i32
      %and3A_189 = arith.andi %ne3A_184, %ne3A_188 : i1
      %convert_element_type3A_190 = arith.extui %and3A_189 : i1 to i32
      %cond3A_191 = arith.constant 0 : i32
      %cond3A_192 = arith.cmpi ne, %convert_element_type3A_190, %cond3A_191 : i32
      scf.if %cond3A_192 {
        %gt3A = arith.constant 7 : i32
        %gt3A_274 = arith.cmpi sgt, %min3A, %gt3A : i32
        %jit3A_275 = arith.constant 0 : i32
        %jit3A_276 = arith.constant 384 : i32
        %select_n3A = arith.select %gt3A_274, %jit3A_275, %jit3A_276 : i32
        %multiple_of3A_277 = tpu.assume_multiple %select_n3A, 128 : i32
        %dma_start3A_278 = arith.constant 0 : i32
        %dma_start3A_279 = tpu.memref_slice %arg4[%dma_start3A_278, %multiple_of3A_277] : memref<64x1536xf32, #tpu.memory_space<vmem>> -> memref<64x128xf32, #tpu.memory_space<vmem>>
        %dma_start3A_280 = arith.constant 896 : i32
        %dma_start3A_281 = tpu.memref_slice %arg3[%multiple_of3A_72, %dma_start3A_280] : memref<131072x2048xf32, #tpu.memory_space<hbm>> -> memref<64x128xf32, #tpu.memory_space<hbm>>
        %dma_start3A_282 = arith.constant 896 : i32
        %dma_start3A_283 = tpu.memref_slice %arg3[%multiple_of3A_72, %dma_start3A_282] : memref<131072x2048xf32, #tpu.memory_space<hbm>> -> memref<64x128xf32, #tpu.memory_space<hbm>>
        %dma_start3A_284 = arith.constant 0 : i32
        %dma_start3A_285 = tpu.memref_slice %arg4[%dma_start3A_284, %multiple_of3A_277] : memref<64x1536xf32, #tpu.memory_space<vmem>> -> memref<64x128xf32, #tpu.memory_space<vmem>>
        tpu.enqueue_dma source(%dma_start3A_285 : memref<64x128xf32, #tpu.memory_space<vmem>>) target(%dma_start3A_283 : memref<64x128xf32, #tpu.memory_space<hbm>>) target_semaphore(%arg7 : memref<!tpu.dma_semaphore, #tpu.memory_space<semaphore_mem>>)
      } else {
      }
      %ne3A_193 = arith.constant 8 : i32
      %ne3A_194 = arith.cmpi ne, %min3A, %ne3A_193 : i32
      %add3A_195 = arith.constant 1 : i32
      %add3A_196 = arith.addi %min3A, %add3A_195 : i32
      %ne3A_197 = arith.constant 8 : i32
      %ne3A_198 = arith.cmpi ne, %add3A_196, %ne3A_197 : i32
      %and3A_199 = arith.andi %ne3A_194, %ne3A_198 : i1
      %convert_element_type3A_200 = arith.extui %and3A_199 : i1 to i32
      %cond3A_201 = arith.constant 0 : i32
      %cond3A_202 = arith.cmpi ne, %convert_element_type3A_200, %cond3A_201 : i32
      scf.if %cond3A_202 {
        %gt3A = arith.constant 8 : i32
        %gt3A_274 = arith.cmpi sgt, %min3A, %gt3A : i32
        %jit3A_275 = arith.constant 0 : i32
        %jit3A_276 = arith.constant 384 : i32
        %select_n3A = arith.select %gt3A_274, %jit3A_275, %jit3A_276 : i32
        %multiple_of3A_277 = tpu.assume_multiple %select_n3A, 128 : i32
        %dma_start3A_278 = arith.constant 0 : i32
        %dma_start3A_279 = tpu.memref_slice %arg4[%dma_start3A_278, %multiple_of3A_277] : memref<64x1536xf32, #tpu.memory_space<vmem>> -> memref<64x128xf32, #tpu.memory_space<vmem>>
        %dma_start3A_280 = arith.constant 1024 : i32
        %dma_start3A_281 = tpu.memref_slice %arg3[%multiple_of3A_72, %dma_start3A_280] : memref<131072x2048xf32, #tpu.memory_space<hbm>> -> memref<64x128xf32, #tpu.memory_space<hbm>>
        %dma_start3A_282 = arith.constant 1024 : i32
        %dma_start3A_283 = tpu.memref_slice %arg3[%multiple_of3A_72, %dma_start3A_282] : memref<131072x2048xf32, #tpu.memory_space<hbm>> -> memref<64x128xf32, #tpu.memory_space<hbm>>
        %dma_start3A_284 = arith.constant 0 : i32
        %dma_start3A_285 = tpu.memref_slice %arg4[%dma_start3A_284, %multiple_of3A_277] : memref<64x1536xf32, #tpu.memory_space<vmem>> -> memref<64x128xf32, #tpu.memory_space<vmem>>
        tpu.enqueue_dma source(%dma_start3A_285 : memref<64x128xf32, #tpu.memory_space<vmem>>) target(%dma_start3A_283 : memref<64x128xf32, #tpu.memory_space<hbm>>) target_semaphore(%arg7 : memref<!tpu.dma_semaphore, #tpu.memory_space<semaphore_mem>>)
      } else {
      }
      %ne3A_203 = arith.constant 9 : i32
      %ne3A_204 = arith.cmpi ne, %min3A, %ne3A_203 : i32
      %add3A_205 = arith.constant 1 : i32
      %add3A_206 = arith.addi %min3A, %add3A_205 : i32
      %ne3A_207 = arith.constant 9 : i32
      %ne3A_208 = arith.cmpi ne, %add3A_206, %ne3A_207 : i32
      %and3A_209 = arith.andi %ne3A_204, %ne3A_208 : i1
      %convert_element_type3A_210 = arith.extui %and3A_209 : i1 to i32
      %cond3A_211 = arith.constant 0 : i32
      %cond3A_212 = arith.cmpi ne, %convert_element_type3A_210, %cond3A_211 : i32
      scf.if %cond3A_212 {
        %gt3A = arith.constant 9 : i32
        %gt3A_274 = arith.cmpi sgt, %min3A, %gt3A : i32
        %jit3A_275 = arith.constant 0 : i32
        %jit3A_276 = arith.constant 384 : i32
        %select_n3A = arith.select %gt3A_274, %jit3A_275, %jit3A_276 : i32
        %multiple_of3A_277 = tpu.assume_multiple %select_n3A, 128 : i32
        %dma_start3A_278 = arith.constant 0 : i32
        %dma_start3A_279 = tpu.memref_slice %arg4[%dma_start3A_278, %multiple_of3A_277] : memref<64x1536xf32, #tpu.memory_space<vmem>> -> memref<64x128xf32, #tpu.memory_space<vmem>>
        %dma_start3A_280 = arith.constant 1152 : i32
        %dma_start3A_281 = tpu.memref_slice %arg3[%multiple_of3A_72, %dma_start3A_280] : memref<131072x2048xf32, #tpu.memory_space<hbm>> -> memref<64x128xf32, #tpu.memory_space<hbm>>
        %dma_start3A_282 = arith.constant 1152 : i32
        %dma_start3A_283 = tpu.memref_slice %arg3[%multiple_of3A_72, %dma_start3A_282] : memref<131072x2048xf32, #tpu.memory_space<hbm>> -> memref<64x128xf32, #tpu.memory_space<hbm>>
        %dma_start3A_284 = arith.constant 0 : i32
        %dma_start3A_285 = tpu.memref_slice %arg4[%dma_start3A_284, %multiple_of3A_277] : memref<64x1536xf32, #tpu.memory_space<vmem>> -> memref<64x128xf32, #tpu.memory_space<vmem>>
        tpu.enqueue_dma source(%dma_start3A_285 : memref<64x128xf32, #tpu.memory_space<vmem>>) target(%dma_start3A_283 : memref<64x128xf32, #tpu.memory_space<hbm>>) target_semaphore(%arg7 : memref<!tpu.dma_semaphore, #tpu.memory_space<semaphore_mem>>)
      } else {
      }
      %ne3A_213 = arith.constant 10 : i32
      %ne3A_214 = arith.cmpi ne, %min3A, %ne3A_213 : i32
      %add3A_215 = arith.constant 1 : i32
      %add3A_216 = arith.addi %min3A, %add3A_215 : i32
      %ne3A_217 = arith.constant 10 : i32
      %ne3A_218 = arith.cmpi ne, %add3A_216, %ne3A_217 : i32
      %and3A_219 = arith.andi %ne3A_214, %ne3A_218 : i1
      %convert_element_type3A_220 = arith.extui %and3A_219 : i1 to i32
      %cond3A_221 = arith.constant 0 : i32
      %cond3A_222 = arith.cmpi ne, %convert_element_type3A_220, %cond3A_221 : i32
      scf.if %cond3A_222 {
        %gt3A = arith.constant 10 : i32
        %gt3A_274 = arith.cmpi sgt, %min3A, %gt3A : i32
        %jit3A_275 = arith.constant 0 : i32
        %jit3A_276 = arith.constant 384 : i32
        %select_n3A = arith.select %gt3A_274, %jit3A_275, %jit3A_276 : i32
        %multiple_of3A_277 = tpu.assume_multiple %select_n3A, 128 : i32
        %dma_start3A_278 = arith.constant 0 : i32
        %dma_start3A_279 = tpu.memref_slice %arg4[%dma_start3A_278, %multiple_of3A_277] : memref<64x1536xf32, #tpu.memory_space<vmem>> -> memref<64x128xf32, #tpu.memory_space<vmem>>
        %dma_start3A_280 = arith.constant 1280 : i32
        %dma_start3A_281 = tpu.memref_slice %arg3[%multiple_of3A_72, %dma_start3A_280] : memref<131072x2048xf32, #tpu.memory_space<hbm>> -> memref<64x128xf32, #tpu.memory_space<hbm>>
        %dma_start3A_282 = arith.constant 1280 : i32
        %dma_start3A_283 = tpu.memref_slice %arg3[%multiple_of3A_72, %dma_start3A_282] : memref<131072x2048xf32, #tpu.memory_space<hbm>> -> memref<64x128xf32, #tpu.memory_space<hbm>>
        %dma_start3A_284 = arith.constant 0 : i32
        %dma_start3A_285 = tpu.memref_slice %arg4[%dma_start3A_284, %multiple_of3A_277] : memref<64x1536xf32, #tpu.memory_space<vmem>> -> memref<64x128xf32, #tpu.memory_space<vmem>>
        tpu.enqueue_dma source(%dma_start3A_285 : memref<64x128xf32, #tpu.memory_space<vmem>>) target(%dma_start3A_283 : memref<64x128xf32, #tpu.memory_space<hbm>>) target_semaphore(%arg7 : memref<!tpu.dma_semaphore, #tpu.memory_space<semaphore_mem>>)
      } else {
      }
      %ne3A_223 = arith.constant 11 : i32
      %ne3A_224 = arith.cmpi ne, %min3A, %ne3A_223 : i32
      %add3A_225 = arith.constant 1 : i32
      %add3A_226 = arith.addi %min3A, %add3A_225 : i32
      %ne3A_227 = arith.constant 11 : i32
      %ne3A_228 = arith.cmpi ne, %add3A_226, %ne3A_227 : i32
      %and3A_229 = arith.andi %ne3A_224, %ne3A_228 : i1
      %convert_element_type3A_230 = arith.extui %and3A_229 : i1 to i32
      %cond3A_231 = arith.constant 0 : i32
      %cond3A_232 = arith.cmpi ne, %convert_element_type3A_230, %cond3A_231 : i32
      scf.if %cond3A_232 {
        %gt3A = arith.constant 11 : i32
        %gt3A_274 = arith.cmpi sgt, %min3A, %gt3A : i32
        %jit3A_275 = arith.constant 0 : i32
        %jit3A_276 = arith.constant 384 : i32
        %select_n3A = arith.select %gt3A_274, %jit3A_275, %jit3A_276 : i32
        %multiple_of3A_277 = tpu.assume_multiple %select_n3A, 128 : i32
        %dma_start3A_278 = arith.constant 0 : i32
        %dma_start3A_279 = tpu.memref_slice %arg4[%dma_start3A_278, %multiple_of3A_277] : memref<64x1536xf32, #tpu.memory_space<vmem>> -> memref<64x128xf32, #tpu.memory_space<vmem>>
        %dma_start3A_280 = arith.constant 1408 : i32
        %dma_start3A_281 = tpu.memref_slice %arg3[%multiple_of3A_72, %dma_start3A_280] : memref<131072x2048xf32, #tpu.memory_space<hbm>> -> memref<64x128xf32, #tpu.memory_space<hbm>>
        %dma_start3A_282 = arith.constant 1408 : i32
        %dma_start3A_283 = tpu.memref_slice %arg3[%multiple_of3A_72, %dma_start3A_282] : memref<131072x2048xf32, #tpu.memory_space<hbm>> -> memref<64x128xf32, #tpu.memory_space<hbm>>
        %dma_start3A_284 = arith.constant 0 : i32
        %dma_start3A_285 = tpu.memref_slice %arg4[%dma_start3A_284, %multiple_of3A_277] : memref<64x1536xf32, #tpu.memory_space<vmem>> -> memref<64x128xf32, #tpu.memory_space<vmem>>
        tpu.enqueue_dma source(%dma_start3A_285 : memref<64x128xf32, #tpu.memory_space<vmem>>) target(%dma_start3A_283 : memref<64x128xf32, #tpu.memory_space<hbm>>) target_semaphore(%arg7 : memref<!tpu.dma_semaphore, #tpu.memory_space<semaphore_mem>>)
      } else {
      }
      %ne3A_233 = arith.constant 12 : i32
      %ne3A_234 = arith.cmpi ne, %min3A, %ne3A_233 : i32
      %add3A_235 = arith.constant 1 : i32
      %add3A_236 = arith.addi %min3A, %add3A_235 : i32
      %ne3A_237 = arith.constant 12 : i32
      %ne3A_238 = arith.cmpi ne, %add3A_236, %ne3A_237 : i32
      %and3A_239 = arith.andi %ne3A_234, %ne3A_238 : i1
      %convert_element_type3A_240 = arith.extui %and3A_239 : i1 to i32
      %cond3A_241 = arith.constant 0 : i32
      %cond3A_242 = arith.cmpi ne, %convert_element_type3A_240, %cond3A_241 : i32
      scf.if %cond3A_242 {
        %gt3A = arith.constant 12 : i32
        %gt3A_274 = arith.cmpi sgt, %min3A, %gt3A : i32
        %jit3A_275 = arith.constant 0 : i32
        %jit3A_276 = arith.constant 384 : i32
        %select_n3A = arith.select %gt3A_274, %jit3A_275, %jit3A_276 : i32
        %multiple_of3A_277 = tpu.assume_multiple %select_n3A, 128 : i32
        %dma_start3A_278 = arith.constant 0 : i32
        %dma_start3A_279 = tpu.memref_slice %arg4[%dma_start3A_278, %multiple_of3A_277] : memref<64x1536xf32, #tpu.memory_space<vmem>> -> memref<64x128xf32, #tpu.memory_space<vmem>>
        %dma_start3A_280 = arith.constant 1536 : i32
        %dma_start3A_281 = tpu.memref_slice %arg3[%multiple_of3A_72, %dma_start3A_280] : memref<131072x2048xf32, #tpu.memory_space<hbm>> -> memref<64x128xf32, #tpu.memory_space<hbm>>
        %dma_start3A_282 = arith.constant 1536 : i32
        %dma_start3A_283 = tpu.memref_slice %arg3[%multiple_of3A_72, %dma_start3A_282] : memref<131072x2048xf32, #tpu.memory_space<hbm>> -> memref<64x128xf32, #tpu.memory_space<hbm>>
        %dma_start3A_284 = arith.constant 0 : i32
        %dma_start3A_285 = tpu.memref_slice %arg4[%dma_start3A_284, %multiple_of3A_277] : memref<64x1536xf32, #tpu.memory_space<vmem>> -> memref<64x128xf32, #tpu.memory_space<vmem>>
        tpu.enqueue_dma source(%dma_start3A_285 : memref<64x128xf32, #tpu.memory_space<vmem>>) target(%dma_start3A_283 : memref<64x128xf32, #tpu.memory_space<hbm>>) target_semaphore(%arg7 : memref<!tpu.dma_semaphore, #tpu.memory_space<semaphore_mem>>)
      } else {
      }
      %ne3A_243 = arith.constant 13 : i32
      %ne3A_244 = arith.cmpi ne, %min3A, %ne3A_243 : i32
      %add3A_245 = arith.constant 1 : i32
      %add3A_246 = arith.addi %min3A, %add3A_245 : i32
      %ne3A_247 = arith.constant 13 : i32
      %ne3A_248 = arith.cmpi ne, %add3A_246, %ne3A_247 : i32
      %and3A_249 = arith.andi %ne3A_244, %ne3A_248 : i1
      %convert_element_type3A_250 = arith.extui %and3A_249 : i1 to i32
      %cond3A_251 = arith.constant 0 : i32
      %cond3A_252 = arith.cmpi ne, %convert_element_type3A_250, %cond3A_251 : i32
      scf.if %cond3A_252 {
        %gt3A = arith.constant 13 : i32
        %gt3A_274 = arith.cmpi sgt, %min3A, %gt3A : i32
        %jit3A_275 = arith.constant 0 : i32
        %jit3A_276 = arith.constant 384 : i32
        %select_n3A = arith.select %gt3A_274, %jit3A_275, %jit3A_276 : i32
        %multiple_of3A_277 = tpu.assume_multiple %select_n3A, 128 : i32
        %dma_start3A_278 = arith.constant 0 : i32
        %dma_start3A_279 = tpu.memref_slice %arg4[%dma_start3A_278, %multiple_of3A_277] : memref<64x1536xf32, #tpu.memory_space<vmem>> -> memref<64x128xf32, #tpu.memory_space<vmem>>
        %dma_start3A_280 = arith.constant 1664 : i32
        %dma_start3A_281 = tpu.memref_slice %arg3[%multiple_of3A_72, %dma_start3A_280] : memref<131072x2048xf32, #tpu.memory_space<hbm>> -> memref<64x128xf32, #tpu.memory_space<hbm>>
        %dma_start3A_282 = arith.constant 1664 : i32
        %dma_start3A_283 = tpu.memref_slice %arg3[%multiple_of3A_72, %dma_start3A_282] : memref<131072x2048xf32, #tpu.memory_space<hbm>> -> memref<64x128xf32, #tpu.memory_space<hbm>>
        %dma_start3A_284 = arith.constant 0 : i32
        %dma_start3A_285 = tpu.memref_slice %arg4[%dma_start3A_284, %multiple_of3A_277] : memref<64x1536xf32, #tpu.memory_space<vmem>> -> memref<64x128xf32, #tpu.memory_space<vmem>>
        tpu.enqueue_dma source(%dma_start3A_285 : memref<64x128xf32, #tpu.memory_space<vmem>>) target(%dma_start3A_283 : memref<64x128xf32, #tpu.memory_space<hbm>>) target_semaphore(%arg7 : memref<!tpu.dma_semaphore, #tpu.memory_space<semaphore_mem>>)
      } else {
      }
      %ne3A_253 = arith.constant 14 : i32
      %ne3A_254 = arith.cmpi ne, %min3A, %ne3A_253 : i32
      %add3A_255 = arith.constant 1 : i32
      %add3A_256 = arith.addi %min3A, %add3A_255 : i32
      %ne3A_257 = arith.constant 14 : i32
      %ne3A_258 = arith.cmpi ne, %add3A_256, %ne3A_257 : i32
      %and3A_259 = arith.andi %ne3A_254, %ne3A_258 : i1
      %convert_element_type3A_260 = arith.extui %and3A_259 : i1 to i32
      %cond3A_261 = arith.constant 0 : i32
      %cond3A_262 = arith.cmpi ne, %convert_element_type3A_260, %cond3A_261 : i32
      scf.if %cond3A_262 {
        %gt3A = arith.constant 14 : i32
        %gt3A_274 = arith.cmpi sgt, %min3A, %gt3A : i32
        %jit3A_275 = arith.constant 0 : i32
        %jit3A_276 = arith.constant 384 : i32
        %select_n3A = arith.select %gt3A_274, %jit3A_275, %jit3A_276 : i32
        %multiple_of3A_277 = tpu.assume_multiple %select_n3A, 128 : i32
        %dma_start3A_278 = arith.constant 0 : i32
        %dma_start3A_279 = tpu.memref_slice %arg4[%dma_start3A_278, %multiple_of3A_277] : memref<64x1536xf32, #tpu.memory_space<vmem>> -> memref<64x128xf32, #tpu.memory_space<vmem>>
        %dma_start3A_280 = arith.constant 1792 : i32
        %dma_start3A_281 = tpu.memref_slice %arg3[%multiple_of3A_72, %dma_start3A_280] : memref<131072x2048xf32, #tpu.memory_space<hbm>> -> memref<64x128xf32, #tpu.memory_space<hbm>>
        %dma_start3A_282 = arith.constant 1792 : i32
        %dma_start3A_283 = tpu.memref_slice %arg3[%multiple_of3A_72, %dma_start3A_282] : memref<131072x2048xf32, #tpu.memory_space<hbm>> -> memref<64x128xf32, #tpu.memory_space<hbm>>
        %dma_start3A_284 = arith.constant 0 : i32
        %dma_start3A_285 = tpu.memref_slice %arg4[%dma_start3A_284, %multiple_of3A_277] : memref<64x1536xf32, #tpu.memory_space<vmem>> -> memref<64x128xf32, #tpu.memory_space<vmem>>
        tpu.enqueue_dma source(%dma_start3A_285 : memref<64x128xf32, #tpu.memory_space<vmem>>) target(%dma_start3A_283 : memref<64x128xf32, #tpu.memory_space<hbm>>) target_semaphore(%arg7 : memref<!tpu.dma_semaphore, #tpu.memory_space<semaphore_mem>>)
      } else {
      }
      %ne3A_263 = arith.constant 15 : i32
      %ne3A_264 = arith.cmpi ne, %min3A, %ne3A_263 : i32
      %add3A_265 = arith.constant 1 : i32
      %add3A_266 = arith.addi %min3A, %add3A_265 : i32
      %ne3A_267 = arith.constant 15 : i32
      %ne3A_268 = arith.cmpi ne, %add3A_266, %ne3A_267 : i32
      %and3A_269 = arith.andi %ne3A_264, %ne3A_268 : i1
      %convert_element_type3A_270 = arith.extui %and3A_269 : i1 to i32
      %cond3A_271 = arith.constant 0 : i32
      %cond3A_272 = arith.cmpi ne, %convert_element_type3A_270, %cond3A_271 : i32
      scf.if %cond3A_272 {
        %gt3A = arith.constant 15 : i32
        %gt3A_274 = arith.cmpi sgt, %min3A, %gt3A : i32
        %jit3A_275 = arith.constant 0 : i32
        %jit3A_276 = arith.constant 384 : i32
        %select_n3A = arith.select %gt3A_274, %jit3A_275, %jit3A_276 : i32
        %multiple_of3A_277 = tpu.assume_multiple %select_n3A, 128 : i32
        %dma_start3A_278 = arith.constant 0 : i32
        %dma_start3A_279 = tpu.memref_slice %arg4[%dma_start3A_278, %multiple_of3A_277] : memref<64x1536xf32, #tpu.memory_space<vmem>> -> memref<64x128xf32, #tpu.memory_space<vmem>>
        %dma_start3A_280 = arith.constant 1920 : i32
        %dma_start3A_281 = tpu.memref_slice %arg3[%multiple_of3A_72, %dma_start3A_280] : memref<131072x2048xf32, #tpu.memory_space<hbm>> -> memref<64x128xf32, #tpu.memory_space<hbm>>
        %dma_start3A_282 = arith.constant 1920 : i32
        %dma_start3A_283 = tpu.memref_slice %arg3[%multiple_of3A_72, %dma_start3A_282] : memref<131072x2048xf32, #tpu.memory_space<hbm>> -> memref<64x128xf32, #tpu.memory_space<hbm>>
        %dma_start3A_284 = arith.constant 0 : i32
        %dma_start3A_285 = tpu.memref_slice %arg4[%dma_start3A_284, %multiple_of3A_277] : memref<64x1536xf32, #tpu.memory_space<vmem>> -> memref<64x128xf32, #tpu.memory_space<vmem>>
        tpu.enqueue_dma source(%dma_start3A_285 : memref<64x128xf32, #tpu.memory_space<vmem>>) target(%dma_start3A_283 : memref<64x128xf32, #tpu.memory_space<hbm>>) target_semaphore(%arg7 : memref<!tpu.dma_semaphore, #tpu.memory_space<semaphore_mem>>)
      } else {
      }
      %scan3A_273 = arith.constant 0 : i32
      scf.yield %scan3A_273 : i32
    }
    %scan3A_43 = arith.constant 64 : i32
    %dma_wait3A = arith.constant 0 : i32
    %dma_wait3A_44 = arith.constant 0 : i32
    %dma_wait3A_45 = tpu.memref_slice %arg4[%dma_wait3A, %dma_wait3A_44] : memref<64x1536xf32, #tpu.memory_space<vmem>> -> memref<64x256xf32, #tpu.memory_space<vmem>>
    %dma_wait3A_46 = arith.constant 0 : i32
    %dma_wait3A_47 = arith.constant 0 : i32
    %dma_wait3A_48 = tpu.memref_slice %arg3[%dma_wait3A_46, %dma_wait3A_47] : memref<131072x2048xf32, #tpu.memory_space<hbm>> -> memref<64x256xf32, #tpu.memory_space<hbm>>
    %dma_wait3A_49 = arith.constant 0 : i32
    %dma_wait3A_50 = arith.constant 0 : i32
    %dma_wait3A_51 = tpu.memref_slice %arg4[%dma_wait3A_49, %dma_wait3A_50] : memref<64x1536xf32, #tpu.memory_space<vmem>> -> memref<64x256xf32, #tpu.memory_space<vmem>>
    %dma_wait3A_52 = arith.constant 0 : i32
    %dma_wait3A_53 = arith.constant 0 : i32
    %dma_wait3A_54 = tpu.memref_slice %arg3[%dma_wait3A_52, %dma_wait3A_53] : memref<131072x2048xf32, #tpu.memory_space<hbm>> -> memref<64x256xf32, #tpu.memory_space<hbm>>
    tpu.wait_dma2 semaphore(%arg6 : memref<!tpu.dma_semaphore, #tpu.memory_space<semaphore_mem>>) src(%dma_wait3A_54 : memref<64x256xf32, #tpu.memory_space<hbm>>) dst(%dma_wait3A_51 : memref<64x256xf32, #tpu.memory_space<vmem>>)
    %scan3A_55 = arith.constant 0 : i32
    %scan3A_56 = arith.constant 0 : i32
    %scan3A_57 = arith.constant 64 : i32
    %scan3A_58 = arith.addi %scan3A_56, %scan3A_57 : i32
    %scan3A_59 = arith.constant 1 : i32
    %scan3A_60 = scf.for %scan3A_62 = %scan3A_56 to %scan3A_58 step %scan3A_59 iter_args(%scan3A_63 = %scan3A_55) -> (i32)  : i32 {
      %dma_wait3A_64 = arith.constant 0 : i32
      %dma_wait3A_65 = arith.constant 0 : i32
      %dma_wait3A_66 = tpu.memref_slice %arg4[%dma_wait3A_64, %dma_wait3A_65] : memref<64x1536xf32, #tpu.memory_space<vmem>> -> memref<64x896xf32, #tpu.memory_space<vmem>>
      %dma_wait3A_67 = arith.constant 0 : i32
      %dma_wait3A_68 = arith.constant 0 : i32
      %dma_wait3A_69 = tpu.memref_slice %arg3[%dma_wait3A_67, %dma_wait3A_68] : memref<131072x2048xf32, #tpu.memory_space<hbm>> -> memref<64x896xf32, #tpu.memory_space<hbm>>
      %dma_wait3A_70 = arith.constant 0 : i32
      %dma_wait3A_71 = arith.constant 0 : i32
      %dma_wait3A_72 = tpu.memref_slice %arg4[%dma_wait3A_70, %dma_wait3A_71] : memref<64x1536xf32, #tpu.memory_space<vmem>> -> memref<64x896xf32, #tpu.memory_space<vmem>>
      %dma_wait3A_73 = arith.constant 0 : i32
      %dma_wait3A_74 = arith.constant 0 : i32
      %dma_wait3A_75 = tpu.memref_slice %arg3[%dma_wait3A_73, %dma_wait3A_74] : memref<131072x2048xf32, #tpu.memory_space<hbm>> -> memref<64x896xf32, #tpu.memory_space<hbm>>
      tpu.wait_dma2 semaphore(%arg7 : memref<!tpu.dma_semaphore, #tpu.memory_space<semaphore_mem>>) src(%dma_wait3A_75 : memref<64x896xf32, #tpu.memory_space<hbm>>) dst(%dma_wait3A_72 : memref<64x896xf32, #tpu.memory_space<vmem>>)
      %dma_wait3A_76 = arith.constant 0 : i32
      %dma_wait3A_77 = arith.constant 0 : i32
      %dma_wait3A_78 = tpu.memref_slice %arg4[%dma_wait3A_76, %dma_wait3A_77] : memref<64x1536xf32, #tpu.memory_space<vmem>> -> memref<64x896xf32, #tpu.memory_space<vmem>>
      %dma_wait3A_79 = arith.constant 0 : i32
      %dma_wait3A_80 = arith.constant 0 : i32
      %dma_wait3A_81 = tpu.memref_slice %arg3[%dma_wait3A_79, %dma_wait3A_80] : memref<131072x2048xf32, #tpu.memory_space<hbm>> -> memref<64x896xf32, #tpu.memory_space<hbm>>
      %dma_wait3A_82 = arith.constant 0 : i32
      %dma_wait3A_83 = arith.constant 0 : i32
      %dma_wait3A_84 = tpu.memref_slice %arg4[%dma_wait3A_82, %dma_wait3A_83] : memref<64x1536xf32, #tpu.memory_space<vmem>> -> memref<64x896xf32, #tpu.memory_space<vmem>>
      %dma_wait3A_85 = arith.constant 0 : i32
      %dma_wait3A_86 = arith.constant 0 : i32
      %dma_wait3A_87 = tpu.memref_slice %arg3[%dma_wait3A_85, %dma_wait3A_86] : memref<131072x2048xf32, #tpu.memory_space<hbm>> -> memref<64x896xf32, #tpu.memory_space<hbm>>
      tpu.wait_dma2 semaphore(%arg7 : memref<!tpu.dma_semaphore, #tpu.memory_space<semaphore_mem>>) src(%dma_wait3A_87 : memref<64x896xf32, #tpu.memory_space<hbm>>) dst(%dma_wait3A_84 : memref<64x896xf32, #tpu.memory_space<vmem>>)
      %scan3A_88 = arith.constant 0 : i32
      scf.yield %scan3A_88 : i32
    }
    %scan3A_61 = arith.constant 64 : i32
    return
  }
}

module attributes {stable_mosaic.version = 14 : i64} {
  func.func @_band_blocks_kernel(%arg0: i32, %arg1: memref<129x64xf32, #tpu.memory_space<vmem>>, %arg2: memref<832x256xf32, #tpu.memory_space<vmem>>) attributes {dimension_semantics = [#tpu.dimension_semantics<arbitrary>], iteration_bounds = array<i64: 10>, scalar_prefetch = 0 : i64, scratch_operands = 0 : i64, tpu.core_type = #tpu.core_type<tc>, window_params = [{pipeline_mode = #tpu.pipeline_mode<synchronous>, transform_indices = @transform_0, window_bounds = array<i64: 129, 64>}, {transform_indices = @transform_1, window_bounds = array<i64: 832, 256>}]} {
    %mul3A = arith.constant 13 : i32
    %mul3A_0 = arith.muli %arg0, %mul3A : i32
    %add3A = arith.constant 0 : i32
    %add3A_1 = arith.addi %mul3A_0, %add3A : i32
    %iota3A = tpu.iota {dimensions = array<i32: 0>} : vector<129x256xi32>
    %iota3A_2 = tpu.iota {dimensions = array<i32: 1>} : vector<129x256xi32>
    %sub3A = vector.broadcast %add3A_1 : i32 to vector<129x256xi32>
    %sub3A_3 = arith.subi %iota3A_2, %sub3A : vector<129x256xi32>
    %jit3A = arith.constant 0 : i32
    %jit3A_4 = arith.constant 128 : i32
    %max3A = vector.broadcast %jit3A : i32 to vector<129x256xi32>
    %max3A_5 = arith.maxsi %max3A, %sub3A_3 : vector<129x256xi32>
    %min3A = vector.broadcast %jit3A_4 : i32 to vector<129x256xi32>
    %min3A_6 = arith.minsi %min3A, %max3A_5 : vector<129x256xi32>
    %eq3A = arith.constant 128 : i32
    %eq3A_7 = arith.cmpi eq, %add3A_1, %eq3A : i32
    %jit3A_8 = arith.constant 0 : i32
    %broadcast_in_dim3A = vector.broadcast %jit3A_8 : i32 to vector<129x256xi32>
    %select_n3A = arith.select %eq3A_7, %broadcast_in_dim3A, %min3A_6 : vector<129x256xi32>
    %eq3A_9 = arith.constant 129 : i32
    %eq3A_10 = arith.cmpi eq, %add3A_1, %eq3A_9 : i32
    %jit3A_11 = arith.constant 128 : i32
    %broadcast_in_dim3A_12 = vector.broadcast %jit3A_11 : i32 to vector<129x256xi32>
    %select_n3A_13 = arith.select %eq3A_10, %broadcast_in_dim3A_12, %select_n3A : vector<129x256xi32>
    %eq3A_14 = arith.cmpi eq, %iota3A, %select_n3A_13 : vector<129x256xi32>
    %convert_element_type3A = arith.extui %eq3A_14 : vector<129x256xi1> to vector<129x256xi32>
    %convert_element_type3A_15 = arith.sitofp %convert_element_type3A : vector<129x256xi32> to vector<129x256xf32>
    %get3A = arith.constant 0 : index
    %get3A_16 = arith.constant 0 : index
    %get3A_17 = vector.load %arg1[%get3A, %get3A_16] : memref<129x64xf32, #tpu.memory_space<vmem>>, vector<129x64xf32>
    %dot_general3A = arith.constant dense<0.000000e+00> : vector<64x256xf32>
    %dot_general3A_18 = tpu.matmul %get3A_17, %convert_element_type3A_15, %dot_general3A {dimension_numbers = #tpu.dot_dimension_numbers<[0], [0], [1], [1], [0, 1, 1, 1], [], []>, transpose_lhs_hint = false} : vector<129x64xf32>, vector<129x256xf32>, vector<64x256xf32> -> vector<64x256xf32>
    %swap3A = arith.constant 0 : index
    %swap3A_19 = arith.constant 0 : index
    %swap3A_20 = vector.load %arg2[%swap3A, %swap3A_19] : memref<832x256xf32, #tpu.memory_space<vmem>>, vector<64x256xf32>
    tpu.vector_store %arg2[%swap3A, %swap3A_19], %dot_general3A_18 {strides = array<i32>} : memref<832x256xf32, #tpu.memory_space<vmem>>, vector<64x256xf32>,
    %mul3A_21 = arith.constant 13 : i32
    %mul3A_22 = arith.muli %arg0, %mul3A_21 : i32
    %add3A_23 = arith.constant 1 : i32
    %add3A_24 = arith.addi %mul3A_22, %add3A_23 : i32
    %iota3A_25 = tpu.iota {dimensions = array<i32: 0>} : vector<129x256xi32>
    %iota3A_26 = tpu.iota {dimensions = array<i32: 1>} : vector<129x256xi32>
    %sub3A_27 = vector.broadcast %add3A_24 : i32 to vector<129x256xi32>
    %sub3A_28 = arith.subi %iota3A_26, %sub3A_27 : vector<129x256xi32>
    %jit3A_29 = arith.constant 0 : i32
    %jit3A_30 = arith.constant 128 : i32
    %max3A_31 = vector.broadcast %jit3A_29 : i32 to vector<129x256xi32>
    %max3A_32 = arith.maxsi %max3A_31, %sub3A_28 : vector<129x256xi32>
    %min3A_33 = vector.broadcast %jit3A_30 : i32 to vector<129x256xi32>
    %min3A_34 = arith.minsi %min3A_33, %max3A_32 : vector<129x256xi32>
    %eq3A_35 = arith.constant 128 : i32
    %eq3A_36 = arith.cmpi eq, %add3A_24, %eq3A_35 : i32
    %jit3A_37 = arith.constant 0 : i32
    %broadcast_in_dim3A_38 = vector.broadcast %jit3A_37 : i32 to vector<129x256xi32>
    %select_n3A_39 = arith.select %eq3A_36, %broadcast_in_dim3A_38, %min3A_34 : vector<129x256xi32>
    %eq3A_40 = arith.constant 129 : i32
    %eq3A_41 = arith.cmpi eq, %add3A_24, %eq3A_40 : i32
    %jit3A_42 = arith.constant 128 : i32
    %broadcast_in_dim3A_43 = vector.broadcast %jit3A_42 : i32 to vector<129x256xi32>
    %select_n3A_44 = arith.select %eq3A_41, %broadcast_in_dim3A_43, %select_n3A_39 : vector<129x256xi32>
    %eq3A_45 = arith.cmpi eq, %iota3A_25, %select_n3A_44 : vector<129x256xi32>
    %convert_element_type3A_46 = arith.extui %eq3A_45 : vector<129x256xi1> to vector<129x256xi32>
    %convert_element_type3A_47 = arith.sitofp %convert_element_type3A_46 : vector<129x256xi32> to vector<129x256xf32>
    %get3A_48 = arith.constant 0 : index
    %get3A_49 = arith.constant 0 : index
    %get3A_50 = vector.load %arg1[%get3A_48, %get3A_49] : memref<129x64xf32, #tpu.memory_space<vmem>>, vector<129x64xf32>
    %dot_general3A_51 = arith.constant dense<0.000000e+00> : vector<64x256xf32>
    %dot_general3A_52 = tpu.matmul %get3A_50, %convert_element_type3A_47, %dot_general3A_51 {dimension_numbers = #tpu.dot_dimension_numbers<[0], [0], [1], [1], [0, 1, 1, 1], [], []>, transpose_lhs_hint = false} : vector<129x64xf32>, vector<129x256xf32>, vector<64x256xf32> -> vector<64x256xf32>
    %swap3A_53 = arith.constant 64 : index
    %swap3A_54 = arith.constant 0 : index
    %swap3A_55 = vector.load %arg2[%swap3A_53, %swap3A_54] : memref<832x256xf32, #tpu.memory_space<vmem>>, vector<64x256xf32>
    tpu.vector_store %arg2[%swap3A_53, %swap3A_54], %dot_general3A_52 {strides = array<i32>} : memref<832x256xf32, #tpu.memory_space<vmem>>, vector<64x256xf32>,
    %mul3A_56 = arith.constant 13 : i32
    %mul3A_57 = arith.muli %arg0, %mul3A_56 : i32
    %add3A_58 = arith.constant 2 : i32
    %add3A_59 = arith.addi %mul3A_57, %add3A_58 : i32
    %iota3A_60 = tpu.iota {dimensions = array<i32: 0>} : vector<129x256xi32>
    %iota3A_61 = tpu.iota {dimensions = array<i32: 1>} : vector<129x256xi32>
    %sub3A_62 = vector.broadcast %add3A_59 : i32 to vector<129x256xi32>
    %sub3A_63 = arith.subi %iota3A_61, %sub3A_62 : vector<129x256xi32>
    %jit3A_64 = arith.constant 0 : i32
    %jit3A_65 = arith.constant 128 : i32
    %max3A_66 = vector.broadcast %jit3A_64 : i32 to vector<129x256xi32>
    %max3A_67 = arith.maxsi %max3A_66, %sub3A_63 : vector<129x256xi32>
    %min3A_68 = vector.broadcast %jit3A_65 : i32 to vector<129x256xi32>
    %min3A_69 = arith.minsi %min3A_68, %max3A_67 : vector<129x256xi32>
    %eq3A_70 = arith.constant 128 : i32
    %eq3A_71 = arith.cmpi eq, %add3A_59, %eq3A_70 : i32
    %jit3A_72 = arith.constant 0 : i32
    %broadcast_in_dim3A_73 = vector.broadcast %jit3A_72 : i32 to vector<129x256xi32>
    %select_n3A_74 = arith.select %eq3A_71, %broadcast_in_dim3A_73, %min3A_69 : vector<129x256xi32>
    %eq3A_75 = arith.constant 129 : i32
    %eq3A_76 = arith.cmpi eq, %add3A_59, %eq3A_75 : i32
    %jit3A_77 = arith.constant 128 : i32
    %broadcast_in_dim3A_78 = vector.broadcast %jit3A_77 : i32 to vector<129x256xi32>
    %select_n3A_79 = arith.select %eq3A_76, %broadcast_in_dim3A_78, %select_n3A_74 : vector<129x256xi32>
    %eq3A_80 = arith.cmpi eq, %iota3A_60, %select_n3A_79 : vector<129x256xi32>
    %convert_element_type3A_81 = arith.extui %eq3A_80 : vector<129x256xi1> to vector<129x256xi32>
    %convert_element_type3A_82 = arith.sitofp %convert_element_type3A_81 : vector<129x256xi32> to vector<129x256xf32>
    %get3A_83 = arith.constant 0 : index
    %get3A_84 = arith.constant 0 : index
    %get3A_85 = vector.load %arg1[%get3A_83, %get3A_84] : memref<129x64xf32, #tpu.memory_space<vmem>>, vector<129x64xf32>
    %dot_general3A_86 = arith.constant dense<0.000000e+00> : vector<64x256xf32>
    %dot_general3A_87 = tpu.matmul %get3A_85, %convert_element_type3A_82, %dot_general3A_86 {dimension_numbers = #tpu.dot_dimension_numbers<[0], [0], [1], [1], [0, 1, 1, 1], [], []>, transpose_lhs_hint = false} : vector<129x64xf32>, vector<129x256xf32>, vector<64x256xf32> -> vector<64x256xf32>
    %swap3A_88 = arith.constant 128 : index
    %swap3A_89 = arith.constant 0 : index
    %swap3A_90 = vector.load %arg2[%swap3A_88, %swap3A_89] : memref<832x256xf32, #tpu.memory_space<vmem>>, vector<64x256xf32>
    tpu.vector_store %arg2[%swap3A_88, %swap3A_89], %dot_general3A_87 {strides = array<i32>} : memref<832x256xf32, #tpu.memory_space<vmem>>, vector<64x256xf32>,
    %mul3A_91 = arith.constant 13 : i32
    %mul3A_92 = arith.muli %arg0, %mul3A_91 : i32
    %add3A_93 = arith.constant 3 : i32
    %add3A_94 = arith.addi %mul3A_92, %add3A_93 : i32
    %iota3A_95 = tpu.iota {dimensions = array<i32: 0>} : vector<129x256xi32>
    %iota3A_96 = tpu.iota {dimensions = array<i32: 1>} : vector<129x256xi32>
    %sub3A_97 = vector.broadcast %add3A_94 : i32 to vector<129x256xi32>
    %sub3A_98 = arith.subi %iota3A_96, %sub3A_97 : vector<129x256xi32>
    %jit3A_99 = arith.constant 0 : i32
    %jit3A_100 = arith.constant 128 : i32
    %max3A_101 = vector.broadcast %jit3A_99 : i32 to vector<129x256xi32>
    %max3A_102 = arith.maxsi %max3A_101, %sub3A_98 : vector<129x256xi32>
    %min3A_103 = vector.broadcast %jit3A_100 : i32 to vector<129x256xi32>
    %min3A_104 = arith.minsi %min3A_103, %max3A_102 : vector<129x256xi32>
    %eq3A_105 = arith.constant 128 : i32
    %eq3A_106 = arith.cmpi eq, %add3A_94, %eq3A_105 : i32
    %jit3A_107 = arith.constant 0 : i32
    %broadcast_in_dim3A_108 = vector.broadcast %jit3A_107 : i32 to vector<129x256xi32>
    %select_n3A_109 = arith.select %eq3A_106, %broadcast_in_dim3A_108, %min3A_104 : vector<129x256xi32>
    %eq3A_110 = arith.constant 129 : i32
    %eq3A_111 = arith.cmpi eq, %add3A_94, %eq3A_110 : i32
    %jit3A_112 = arith.constant 128 : i32
    %broadcast_in_dim3A_113 = vector.broadcast %jit3A_112 : i32 to vector<129x256xi32>
    %select_n3A_114 = arith.select %eq3A_111, %broadcast_in_dim3A_113, %select_n3A_109 : vector<129x256xi32>
    %eq3A_115 = arith.cmpi eq, %iota3A_95, %select_n3A_114 : vector<129x256xi32>
    %convert_element_type3A_116 = arith.extui %eq3A_115 : vector<129x256xi1> to vector<129x256xi32>
    %convert_element_type3A_117 = arith.sitofp %convert_element_type3A_116 : vector<129x256xi32> to vector<129x256xf32>
    %get3A_118 = arith.constant 0 : index
    %get3A_119 = arith.constant 0 : index
    %get3A_120 = vector.load %arg1[%get3A_118, %get3A_119] : memref<129x64xf32, #tpu.memory_space<vmem>>, vector<129x64xf32>
    %dot_general3A_121 = arith.constant dense<0.000000e+00> : vector<64x256xf32>
    %dot_general3A_122 = tpu.matmul %get3A_120, %convert_element_type3A_117, %dot_general3A_121 {dimension_numbers = #tpu.dot_dimension_numbers<[0], [0], [1], [1], [0, 1, 1, 1], [], []>, transpose_lhs_hint = false} : vector<129x64xf32>, vector<129x256xf32>, vector<64x256xf32> -> vector<64x256xf32>
    %swap3A_123 = arith.constant 192 : index
    %swap3A_124 = arith.constant 0 : index
    %swap3A_125 = vector.load %arg2[%swap3A_123, %swap3A_124] : memref<832x256xf32, #tpu.memory_space<vmem>>, vector<64x256xf32>
    tpu.vector_store %arg2[%swap3A_123, %swap3A_124], %dot_general3A_122 {strides = array<i32>} : memref<832x256xf32, #tpu.memory_space<vmem>>, vector<64x256xf32>,
    %mul3A_126 = arith.constant 13 : i32
    %mul3A_127 = arith.muli %arg0, %mul3A_126 : i32
    %add3A_128 = arith.constant 4 : i32
    %add3A_129 = arith.addi %mul3A_127, %add3A_128 : i32
    %iota3A_130 = tpu.iota {dimensions = array<i32: 0>} : vector<129x256xi32>
    %iota3A_131 = tpu.iota {dimensions = array<i32: 1>} : vector<129x256xi32>
    %sub3A_132 = vector.broadcast %add3A_129 : i32 to vector<129x256xi32>
    %sub3A_133 = arith.subi %iota3A_131, %sub3A_132 : vector<129x256xi32>
    %jit3A_134 = arith.constant 0 : i32
    %jit3A_135 = arith.constant 128 : i32
    %max3A_136 = vector.broadcast %jit3A_134 : i32 to vector<129x256xi32>
    %max3A_137 = arith.maxsi %max3A_136, %sub3A_133 : vector<129x256xi32>
    %min3A_138 = vector.broadcast %jit3A_135 : i32 to vector<129x256xi32>
    %min3A_139 = arith.minsi %min3A_138, %max3A_137 : vector<129x256xi32>
    %eq3A_140 = arith.constant 128 : i32
    %eq3A_141 = arith.cmpi eq, %add3A_129, %eq3A_140 : i32
    %jit3A_142 = arith.constant 0 : i32
    %broadcast_in_dim3A_143 = vector.broadcast %jit3A_142 : i32 to vector<129x256xi32>
    %select_n3A_144 = arith.select %eq3A_141, %broadcast_in_dim3A_143, %min3A_139 : vector<129x256xi32>
    %eq3A_145 = arith.constant 129 : i32
    %eq3A_146 = arith.cmpi eq, %add3A_129, %eq3A_145 : i32
    %jit3A_147 = arith.constant 128 : i32
    %broadcast_in_dim3A_148 = vector.broadcast %jit3A_147 : i32 to vector<129x256xi32>
    %select_n3A_149 = arith.select %eq3A_146, %broadcast_in_dim3A_148, %select_n3A_144 : vector<129x256xi32>
    %eq3A_150 = arith.cmpi eq, %iota3A_130, %select_n3A_149 : vector<129x256xi32>
    %convert_element_type3A_151 = arith.extui %eq3A_150 : vector<129x256xi1> to vector<129x256xi32>
    %convert_element_type3A_152 = arith.sitofp %convert_element_type3A_151 : vector<129x256xi32> to vector<129x256xf32>
    %get3A_153 = arith.constant 0 : index
    %get3A_154 = arith.constant 0 : index
    %get3A_155 = vector.load %arg1[%get3A_153, %get3A_154] : memref<129x64xf32, #tpu.memory_space<vmem>>, vector<129x64xf32>
    %dot_general3A_156 = arith.constant dense<0.000000e+00> : vector<64x256xf32>
    %dot_general3A_157 = tpu.matmul %get3A_155, %convert_element_type3A_152, %dot_general3A_156 {dimension_numbers = #tpu.dot_dimension_numbers<[0], [0], [1], [1], [0, 1, 1, 1], [], []>, transpose_lhs_hint = false} : vector<129x64xf32>, vector<129x256xf32>, vector<64x256xf32> -> vector<64x256xf32>
    %swap3A_158 = arith.constant 256 : index
    %swap3A_159 = arith.constant 0 : index
    %swap3A_160 = vector.load %arg2[%swap3A_158, %swap3A_159] : memref<832x256xf32, #tpu.memory_space<vmem>>, vector<64x256xf32>
    tpu.vector_store %arg2[%swap3A_158, %swap3A_159], %dot_general3A_157 {strides = array<i32>} : memref<832x256xf32, #tpu.memory_space<vmem>>, vector<64x256xf32>,
    %mul3A_161 = arith.constant 13 : i32
    %mul3A_162 = arith.muli %arg0, %mul3A_161 : i32
    %add3A_163 = arith.constant 5 : i32
    %add3A_164 = arith.addi %mul3A_162, %add3A_163 : i32
    %iota3A_165 = tpu.iota {dimensions = array<i32: 0>} : vector<129x256xi32>
    %iota3A_166 = tpu.iota {dimensions = array<i32: 1>} : vector<129x256xi32>
    %sub3A_167 = vector.broadcast %add3A_164 : i32 to vector<129x256xi32>
    %sub3A_168 = arith.subi %iota3A_166, %sub3A_167 : vector<129x256xi32>
    %jit3A_169 = arith.constant 0 : i32
    %jit3A_170 = arith.constant 128 : i32
    %max3A_171 = vector.broadcast %jit3A_169 : i32 to vector<129x256xi32>
    %max3A_172 = arith.maxsi %max3A_171, %sub3A_168 : vector<129x256xi32>
    %min3A_173 = vector.broadcast %jit3A_170 : i32 to vector<129x256xi32>
    %min3A_174 = arith.minsi %min3A_173, %max3A_172 : vector<129x256xi32>
    %eq3A_175 = arith.constant 128 : i32
    %eq3A_176 = arith.cmpi eq, %add3A_164, %eq3A_175 : i32
    %jit3A_177 = arith.constant 0 : i32
    %broadcast_in_dim3A_178 = vector.broadcast %jit3A_177 : i32 to vector<129x256xi32>
    %select_n3A_179 = arith.select %eq3A_176, %broadcast_in_dim3A_178, %min3A_174 : vector<129x256xi32>
    %eq3A_180 = arith.constant 129 : i32
    %eq3A_181 = arith.cmpi eq, %add3A_164, %eq3A_180 : i32
    %jit3A_182 = arith.constant 128 : i32
    %broadcast_in_dim3A_183 = vector.broadcast %jit3A_182 : i32 to vector<129x256xi32>
    %select_n3A_184 = arith.select %eq3A_181, %broadcast_in_dim3A_183, %select_n3A_179 : vector<129x256xi32>
    %eq3A_185 = arith.cmpi eq, %iota3A_165, %select_n3A_184 : vector<129x256xi32>
    %convert_element_type3A_186 = arith.extui %eq3A_185 : vector<129x256xi1> to vector<129x256xi32>
    %convert_element_type3A_187 = arith.sitofp %convert_element_type3A_186 : vector<129x256xi32> to vector<129x256xf32>
    %get3A_188 = arith.constant 0 : index
    %get3A_189 = arith.constant 0 : index
    %get3A_190 = vector.load %arg1[%get3A_188, %get3A_189] : memref<129x64xf32, #tpu.memory_space<vmem>>, vector<129x64xf32>
    %dot_general3A_191 = arith.constant dense<0.000000e+00> : vector<64x256xf32>
    %dot_general3A_192 = tpu.matmul %get3A_190, %convert_element_type3A_187, %dot_general3A_191 {dimension_numbers = #tpu.dot_dimension_numbers<[0], [0], [1], [1], [0, 1, 1, 1], [], []>, transpose_lhs_hint = false} : vector<129x64xf32>, vector<129x256xf32>, vector<64x256xf32> -> vector<64x256xf32>
    %swap3A_193 = arith.constant 320 : index
    %swap3A_194 = arith.constant 0 : index
    %swap3A_195 = vector.load %arg2[%swap3A_193, %swap3A_194] : memref<832x256xf32, #tpu.memory_space<vmem>>, vector<64x256xf32>
    tpu.vector_store %arg2[%swap3A_193, %swap3A_194], %dot_general3A_192 {strides = array<i32>} : memref<832x256xf32, #tpu.memory_space<vmem>>, vector<64x256xf32>,
    %mul3A_196 = arith.constant 13 : i32
    %mul3A_197 = arith.muli %arg0, %mul3A_196 : i32
    %add3A_198 = arith.constant 6 : i32
    %add3A_199 = arith.addi %mul3A_197, %add3A_198 : i32
    %iota3A_200 = tpu.iota {dimensions = array<i32: 0>} : vector<129x256xi32>
    %iota3A_201 = tpu.iota {dimensions = array<i32: 1>} : vector<129x256xi32>
    %sub3A_202 = vector.broadcast %add3A_199 : i32 to vector<129x256xi32>
    %sub3A_203 = arith.subi %iota3A_201, %sub3A_202 : vector<129x256xi32>
    %jit3A_204 = arith.constant 0 : i32
    %jit3A_205 = arith.constant 128 : i32
    %max3A_206 = vector.broadcast %jit3A_204 : i32 to vector<129x256xi32>
    %max3A_207 = arith.maxsi %max3A_206, %sub3A_203 : vector<129x256xi32>
    %min3A_208 = vector.broadcast %jit3A_205 : i32 to vector<129x256xi32>
    %min3A_209 = arith.minsi %min3A_208, %max3A_207 : vector<129x256xi32>
    %eq3A_210 = arith.constant 128 : i32
    %eq3A_211 = arith.cmpi eq, %add3A_199, %eq3A_210 : i32
    %jit3A_212 = arith.constant 0 : i32
    %broadcast_in_dim3A_213 = vector.broadcast %jit3A_212 : i32 to vector<129x256xi32>
    %select_n3A_214 = arith.select %eq3A_211, %broadcast_in_dim3A_213, %min3A_209 : vector<129x256xi32>
    %eq3A_215 = arith.constant 129 : i32
    %eq3A_216 = arith.cmpi eq, %add3A_199, %eq3A_215 : i32
    %jit3A_217 = arith.constant 128 : i32
    %broadcast_in_dim3A_218 = vector.broadcast %jit3A_217 : i32 to vector<129x256xi32>
    %select_n3A_219 = arith.select %eq3A_216, %broadcast_in_dim3A_218, %select_n3A_214 : vector<129x256xi32>
    %eq3A_220 = arith.cmpi eq, %iota3A_200, %select_n3A_219 : vector<129x256xi32>
    %convert_element_type3A_221 = arith.extui %eq3A_220 : vector<129x256xi1> to vector<129x256xi32>
    %convert_element_type3A_222 = arith.sitofp %convert_element_type3A_221 : vector<129x256xi32> to vector<129x256xf32>
    %get3A_223 = arith.constant 0 : index
    %get3A_224 = arith.constant 0 : index
    %get3A_225 = vector.load %arg1[%get3A_223, %get3A_224] : memref<129x64xf32, #tpu.memory_space<vmem>>, vector<129x64xf32>
    %dot_general3A_226 = arith.constant dense<0.000000e+00> : vector<64x256xf32>
    %dot_general3A_227 = tpu.matmul %get3A_225, %convert_element_type3A_222, %dot_general3A_226 {dimension_numbers = #tpu.dot_dimension_numbers<[0], [0], [1], [1], [0, 1, 1, 1], [], []>, transpose_lhs_hint = false} : vector<129x64xf32>, vector<129x256xf32>, vector<64x256xf32> -> vector<64x256xf32>
    %swap3A_228 = arith.constant 384 : index
    %swap3A_229 = arith.constant 0 : index
    %swap3A_230 = vector.load %arg2[%swap3A_228, %swap3A_229] : memref<832x256xf32, #tpu.memory_space<vmem>>, vector<64x256xf32>
    tpu.vector_store %arg2[%swap3A_228, %swap3A_229], %dot_general3A_227 {strides = array<i32>} : memref<832x256xf32, #tpu.memory_space<vmem>>, vector<64x256xf32>,
    %mul3A_231 = arith.constant 13 : i32
    %mul3A_232 = arith.muli %arg0, %mul3A_231 : i32
    %add3A_233 = arith.constant 7 : i32
    %add3A_234 = arith.addi %mul3A_232, %add3A_233 : i32
    %iota3A_235 = tpu.iota {dimensions = array<i32: 0>} : vector<129x256xi32>
    %iota3A_236 = tpu.iota {dimensions = array<i32: 1>} : vector<129x256xi32>
    %sub3A_237 = vector.broadcast %add3A_234 : i32 to vector<129x256xi32>
    %sub3A_238 = arith.subi %iota3A_236, %sub3A_237 : vector<129x256xi32>
    %jit3A_239 = arith.constant 0 : i32
    %jit3A_240 = arith.constant 128 : i32
    %max3A_241 = vector.broadcast %jit3A_239 : i32 to vector<129x256xi32>
    %max3A_242 = arith.maxsi %max3A_241, %sub3A_238 : vector<129x256xi32>
    %min3A_243 = vector.broadcast %jit3A_240 : i32 to vector<129x256xi32>
    %min3A_244 = arith.minsi %min3A_243, %max3A_242 : vector<129x256xi32>
    %eq3A_245 = arith.constant 128 : i32
    %eq3A_246 = arith.cmpi eq, %add3A_234, %eq3A_245 : i32
    %jit3A_247 = arith.constant 0 : i32
    %broadcast_in_dim3A_248 = vector.broadcast %jit3A_247 : i32 to vector<129x256xi32>
    %select_n3A_249 = arith.select %eq3A_246, %broadcast_in_dim3A_248, %min3A_244 : vector<129x256xi32>
    %eq3A_250 = arith.constant 129 : i32
    %eq3A_251 = arith.cmpi eq, %add3A_234, %eq3A_250 : i32
    %jit3A_252 = arith.constant 128 : i32
    %broadcast_in_dim3A_253 = vector.broadcast %jit3A_252 : i32 to vector<129x256xi32>
    %select_n3A_254 = arith.select %eq3A_251, %broadcast_in_dim3A_253, %select_n3A_249 : vector<129x256xi32>
    %eq3A_255 = arith.cmpi eq, %iota3A_235, %select_n3A_254 : vector<129x256xi32>
    %convert_element_type3A_256 = arith.extui %eq3A_255 : vector<129x256xi1> to vector<129x256xi32>
    %convert_element_type3A_257 = arith.sitofp %convert_element_type3A_256 : vector<129x256xi32> to vector<129x256xf32>
    %get3A_258 = arith.constant 0 : index
    %get3A_259 = arith.constant 0 : index
    %get3A_260 = vector.load %arg1[%get3A_258, %get3A_259] : memref<129x64xf32, #tpu.memory_space<vmem>>, vector<129x64xf32>
    %dot_general3A_261 = arith.constant dense<0.000000e+00> : vector<64x256xf32>
    %dot_general3A_262 = tpu.matmul %get3A_260, %convert_element_type3A_257, %dot_general3A_261 {dimension_numbers = #tpu.dot_dimension_numbers<[0], [0], [1], [1], [0, 1, 1, 1], [], []>, transpose_lhs_hint = false} : vector<129x64xf32>, vector<129x256xf32>, vector<64x256xf32> -> vector<64x256xf32>
    %swap3A_263 = arith.constant 448 : index
    %swap3A_264 = arith.constant 0 : index
    %swap3A_265 = vector.load %arg2[%swap3A_263, %swap3A_264] : memref<832x256xf32, #tpu.memory_space<vmem>>, vector<64x256xf32>
    tpu.vector_store %arg2[%swap3A_263, %swap3A_264], %dot_general3A_262 {strides = array<i32>} : memref<832x256xf32, #tpu.memory_space<vmem>>, vector<64x256xf32>,
    %mul3A_266 = arith.constant 13 : i32
    %mul3A_267 = arith.muli %arg0, %mul3A_266 : i32
    %add3A_268 = arith.constant 8 : i32
    %add3A_269 = arith.addi %mul3A_267, %add3A_268 : i32
    %iota3A_270 = tpu.iota {dimensions = array<i32: 0>} : vector<129x256xi32>
    %iota3A_271 = tpu.iota {dimensions = array<i32: 1>} : vector<129x256xi32>
    %sub3A_272 = vector.broadcast %add3A_269 : i32 to vector<129x256xi32>
    %sub3A_273 = arith.subi %iota3A_271, %sub3A_272 : vector<129x256xi32>
    %jit3A_274 = arith.constant 0 : i32
    %jit3A_275 = arith.constant 128 : i32
    %max3A_276 = vector.broadcast %jit3A_274 : i32 to vector<129x256xi32>
    %max3A_277 = arith.maxsi %max3A_276, %sub3A_273 : vector<129x256xi32>
    %min3A_278 = vector.broadcast %jit3A_275 : i32 to vector<129x256xi32>
    %min3A_279 = arith.minsi %min3A_278, %max3A_277 : vector<129x256xi32>
    %eq3A_280 = arith.constant 128 : i32
    %eq3A_281 = arith.cmpi eq, %add3A_269, %eq3A_280 : i32
    %jit3A_282 = arith.constant 0 : i32
    %broadcast_in_dim3A_283 = vector.broadcast %jit3A_282 : i32 to vector<129x256xi32>
    %select_n3A_284 = arith.select %eq3A_281, %broadcast_in_dim3A_283, %min3A_279 : vector<129x256xi32>
    %eq3A_285 = arith.constant 129 : i32
    %eq3A_286 = arith.cmpi eq, %add3A_269, %eq3A_285 : i32
    %jit3A_287 = arith.constant 128 : i32
    %broadcast_in_dim3A_288 = vector.broadcast %jit3A_287 : i32 to vector<129x256xi32>
    %select_n3A_289 = arith.select %eq3A_286, %broadcast_in_dim3A_288, %select_n3A_284 : vector<129x256xi32>
    %eq3A_290 = arith.cmpi eq, %iota3A_270, %select_n3A_289 : vector<129x256xi32>
    %convert_element_type3A_291 = arith.extui %eq3A_290 : vector<129x256xi1> to vector<129x256xi32>
    %convert_element_type3A_292 = arith.sitofp %convert_element_type3A_291 : vector<129x256xi32> to vector<129x256xf32>
    %get3A_293 = arith.constant 0 : index
    %get3A_294 = arith.constant 0 : index
    %get3A_295 = vector.load %arg1[%get3A_293, %get3A_294] : memref<129x64xf32, #tpu.memory_space<vmem>>, vector<129x64xf32>
    %dot_general3A_296 = arith.constant dense<0.000000e+00> : vector<64x256xf32>
    %dot_general3A_297 = tpu.matmul %get3A_295, %convert_element_type3A_292, %dot_general3A_296 {dimension_numbers = #tpu.dot_dimension_numbers<[0], [0], [1], [1], [0, 1, 1, 1], [], []>, transpose_lhs_hint = false} : vector<129x64xf32>, vector<129x256xf32>, vector<64x256xf32> -> vector<64x256xf32>
    %swap3A_298 = arith.constant 512 : index
    %swap3A_299 = arith.constant 0 : index
    %swap3A_300 = vector.load %arg2[%swap3A_298, %swap3A_299] : memref<832x256xf32, #tpu.memory_space<vmem>>, vector<64x256xf32>
    tpu.vector_store %arg2[%swap3A_298, %swap3A_299], %dot_general3A_297 {strides = array<i32>} : memref<832x256xf32, #tpu.memory_space<vmem>>, vector<64x256xf32>,
    %mul3A_301 = arith.constant 13 : i32
    %mul3A_302 = arith.muli %arg0, %mul3A_301 : i32
    %add3A_303 = arith.constant 9 : i32
    %add3A_304 = arith.addi %mul3A_302, %add3A_303 : i32
    %iota3A_305 = tpu.iota {dimensions = array<i32: 0>} : vector<129x256xi32>
    %iota3A_306 = tpu.iota {dimensions = array<i32: 1>} : vector<129x256xi32>
    %sub3A_307 = vector.broadcast %add3A_304 : i32 to vector<129x256xi32>
    %sub3A_308 = arith.subi %iota3A_306, %sub3A_307 : vector<129x256xi32>
    %jit3A_309 = arith.constant 0 : i32
    %jit3A_310 = arith.constant 128 : i32
    %max3A_311 = vector.broadcast %jit3A_309 : i32 to vector<129x256xi32>
    %max3A_312 = arith.maxsi %max3A_311, %sub3A_308 : vector<129x256xi32>
    %min3A_313 = vector.broadcast %jit3A_310 : i32 to vector<129x256xi32>
    %min3A_314 = arith.minsi %min3A_313, %max3A_312 : vector<129x256xi32>
    %eq3A_315 = arith.constant 128 : i32
    %eq3A_316 = arith.cmpi eq, %add3A_304, %eq3A_315 : i32
    %jit3A_317 = arith.constant 0 : i32
    %broadcast_in_dim3A_318 = vector.broadcast %jit3A_317 : i32 to vector<129x256xi32>
    %select_n3A_319 = arith.select %eq3A_316, %broadcast_in_dim3A_318, %min3A_314 : vector<129x256xi32>
    %eq3A_320 = arith.constant 129 : i32
    %eq3A_321 = arith.cmpi eq, %add3A_304, %eq3A_320 : i32
    %jit3A_322 = arith.constant 128 : i32
    %broadcast_in_dim3A_323 = vector.broadcast %jit3A_322 : i32 to vector<129x256xi32>
    %select_n3A_324 = arith.select %eq3A_321, %broadcast_in_dim3A_323, %select_n3A_319 : vector<129x256xi32>
    %eq3A_325 = arith.cmpi eq, %iota3A_305, %select_n3A_324 : vector<129x256xi32>
    %convert_element_type3A_326 = arith.extui %eq3A_325 : vector<129x256xi1> to vector<129x256xi32>
    %convert_element_type3A_327 = arith.sitofp %convert_element_type3A_326 : vector<129x256xi32> to vector<129x256xf32>
    %get3A_328 = arith.constant 0 : index
    %get3A_329 = arith.constant 0 : index
    %get3A_330 = vector.load %arg1[%get3A_328, %get3A_329] : memref<129x64xf32, #tpu.memory_space<vmem>>, vector<129x64xf32>
    %dot_general3A_331 = arith.constant dense<0.000000e+00> : vector<64x256xf32>
    %dot_general3A_332 = tpu.matmul %get3A_330, %convert_element_type3A_327, %dot_general3A_331 {dimension_numbers = #tpu.dot_dimension_numbers<[0], [0], [1], [1], [0, 1, 1, 1], [], []>, transpose_lhs_hint = false} : vector<129x64xf32>, vector<129x256xf32>, vector<64x256xf32> -> vector<64x256xf32>
    %swap3A_333 = arith.constant 576 : index
    %swap3A_334 = arith.constant 0 : index
    %swap3A_335 = vector.load %arg2[%swap3A_333, %swap3A_334] : memref<832x256xf32, #tpu.memory_space<vmem>>, vector<64x256xf32>
    tpu.vector_store %arg2[%swap3A_333, %swap3A_334], %dot_general3A_332 {strides = array<i32>} : memref<832x256xf32, #tpu.memory_space<vmem>>, vector<64x256xf32>,
    %mul3A_336 = arith.constant 13 : i32
    %mul3A_337 = arith.muli %arg0, %mul3A_336 : i32
    %add3A_338 = arith.constant 10 : i32
    %add3A_339 = arith.addi %mul3A_337, %add3A_338 : i32
    %iota3A_340 = tpu.iota {dimensions = array<i32: 0>} : vector<129x256xi32>
    %iota3A_341 = tpu.iota {dimensions = array<i32: 1>} : vector<129x256xi32>
    %sub3A_342 = vector.broadcast %add3A_339 : i32 to vector<129x256xi32>
    %sub3A_343 = arith.subi %iota3A_341, %sub3A_342 : vector<129x256xi32>
    %jit3A_344 = arith.constant 0 : i32
    %jit3A_345 = arith.constant 128 : i32
    %max3A_346 = vector.broadcast %jit3A_344 : i32 to vector<129x256xi32>
    %max3A_347 = arith.maxsi %max3A_346, %sub3A_343 : vector<129x256xi32>
    %min3A_348 = vector.broadcast %jit3A_345 : i32 to vector<129x256xi32>
    %min3A_349 = arith.minsi %min3A_348, %max3A_347 : vector<129x256xi32>
    %eq3A_350 = arith.constant 128 : i32
    %eq3A_351 = arith.cmpi eq, %add3A_339, %eq3A_350 : i32
    %jit3A_352 = arith.constant 0 : i32
    %broadcast_in_dim3A_353 = vector.broadcast %jit3A_352 : i32 to vector<129x256xi32>
    %select_n3A_354 = arith.select %eq3A_351, %broadcast_in_dim3A_353, %min3A_349 : vector<129x256xi32>
    %eq3A_355 = arith.constant 129 : i32
    %eq3A_356 = arith.cmpi eq, %add3A_339, %eq3A_355 : i32
    %jit3A_357 = arith.constant 128 : i32
    %broadcast_in_dim3A_358 = vector.broadcast %jit3A_357 : i32 to vector<129x256xi32>
    %select_n3A_359 = arith.select %eq3A_356, %broadcast_in_dim3A_358, %select_n3A_354 : vector<129x256xi32>
    %eq3A_360 = arith.cmpi eq, %iota3A_340, %select_n3A_359 : vector<129x256xi32>
    %convert_element_type3A_361 = arith.extui %eq3A_360 : vector<129x256xi1> to vector<129x256xi32>
    %convert_element_type3A_362 = arith.sitofp %convert_element_type3A_361 : vector<129x256xi32> to vector<129x256xf32>
    %get3A_363 = arith.constant 0 : index
    %get3A_364 = arith.constant 0 : index
    %get3A_365 = vector.load %arg1[%get3A_363, %get3A_364] : memref<129x64xf32, #tpu.memory_space<vmem>>, vector<129x64xf32>
    %dot_general3A_366 = arith.constant dense<0.000000e+00> : vector<64x256xf32>
    %dot_general3A_367 = tpu.matmul %get3A_365, %convert_element_type3A_362, %dot_general3A_366 {dimension_numbers = #tpu.dot_dimension_numbers<[0], [0], [1], [1], [0, 1, 1, 1], [], []>, transpose_lhs_hint = false} : vector<129x64xf32>, vector<129x256xf32>, vector<64x256xf32> -> vector<64x256xf32>
    %swap3A_368 = arith.constant 640 : index
    %swap3A_369 = arith.constant 0 : index
    %swap3A_370 = vector.load %arg2[%swap3A_368, %swap3A_369] : memref<832x256xf32, #tpu.memory_space<vmem>>, vector<64x256xf32>
    tpu.vector_store %arg2[%swap3A_368, %swap3A_369], %dot_general3A_367 {strides = array<i32>} : memref<832x256xf32, #tpu.memory_space<vmem>>, vector<64x256xf32>,
    %mul3A_371 = arith.constant 13 : i32
    %mul3A_372 = arith.muli %arg0, %mul3A_371 : i32
    %add3A_373 = arith.constant 11 : i32
    %add3A_374 = arith.addi %mul3A_372, %add3A_373 : i32
    %iota3A_375 = tpu.iota {dimensions = array<i32: 0>} : vector<129x256xi32>
    %iota3A_376 = tpu.iota {dimensions = array<i32: 1>} : vector<129x256xi32>
    %sub3A_377 = vector.broadcast %add3A_374 : i32 to vector<129x256xi32>
    %sub3A_378 = arith.subi %iota3A_376, %sub3A_377 : vector<129x256xi32>
    %jit3A_379 = arith.constant 0 : i32
    %jit3A_380 = arith.constant 128 : i32
    %max3A_381 = vector.broadcast %jit3A_379 : i32 to vector<129x256xi32>
    %max3A_382 = arith.maxsi %max3A_381, %sub3A_378 : vector<129x256xi32>
    %min3A_383 = vector.broadcast %jit3A_380 : i32 to vector<129x256xi32>
    %min3A_384 = arith.minsi %min3A_383, %max3A_382 : vector<129x256xi32>
    %eq3A_385 = arith.constant 128 : i32
    %eq3A_386 = arith.cmpi eq, %add3A_374, %eq3A_385 : i32
    %jit3A_387 = arith.constant 0 : i32
    %broadcast_in_dim3A_388 = vector.broadcast %jit3A_387 : i32 to vector<129x256xi32>
    %select_n3A_389 = arith.select %eq3A_386, %broadcast_in_dim3A_388, %min3A_384 : vector<129x256xi32>
    %eq3A_390 = arith.constant 129 : i32
    %eq3A_391 = arith.cmpi eq, %add3A_374, %eq3A_390 : i32
    %jit3A_392 = arith.constant 128 : i32
    %broadcast_in_dim3A_393 = vector.broadcast %jit3A_392 : i32 to vector<129x256xi32>
    %select_n3A_394 = arith.select %eq3A_391, %broadcast_in_dim3A_393, %select_n3A_389 : vector<129x256xi32>
    %eq3A_395 = arith.cmpi eq, %iota3A_375, %select_n3A_394 : vector<129x256xi32>
    %convert_element_type3A_396 = arith.extui %eq3A_395 : vector<129x256xi1> to vector<129x256xi32>
    %convert_element_type3A_397 = arith.sitofp %convert_element_type3A_396 : vector<129x256xi32> to vector<129x256xf32>
    %get3A_398 = arith.constant 0 : index
    %get3A_399 = arith.constant 0 : index
    %get3A_400 = vector.load %arg1[%get3A_398, %get3A_399] : memref<129x64xf32, #tpu.memory_space<vmem>>, vector<129x64xf32>
    %dot_general3A_401 = arith.constant dense<0.000000e+00> : vector<64x256xf32>
    %dot_general3A_402 = tpu.matmul %get3A_400, %convert_element_type3A_397, %dot_general3A_401 {dimension_numbers = #tpu.dot_dimension_numbers<[0], [0], [1], [1], [0, 1, 1, 1], [], []>, transpose_lhs_hint = false} : vector<129x64xf32>, vector<129x256xf32>, vector<64x256xf32> -> vector<64x256xf32>
    %swap3A_403 = arith.constant 704 : index
    %swap3A_404 = arith.constant 0 : index
    %swap3A_405 = vector.load %arg2[%swap3A_403, %swap3A_404] : memref<832x256xf32, #tpu.memory_space<vmem>>, vector<64x256xf32>
    tpu.vector_store %arg2[%swap3A_403, %swap3A_404], %dot_general3A_402 {strides = array<i32>} : memref<832x256xf32, #tpu.memory_space<vmem>>, vector<64x256xf32>,
    %mul3A_406 = arith.constant 13 : i32
    %mul3A_407 = arith.muli %arg0, %mul3A_406 : i32
    %add3A_408 = arith.constant 12 : i32
    %add3A_409 = arith.addi %mul3A_407, %add3A_408 : i32
    %iota3A_410 = tpu.iota {dimensions = array<i32: 0>} : vector<129x256xi32>
    %iota3A_411 = tpu.iota {dimensions = array<i32: 1>} : vector<129x256xi32>
    %sub3A_412 = vector.broadcast %add3A_409 : i32 to vector<129x256xi32>
    %sub3A_413 = arith.subi %iota3A_411, %sub3A_412 : vector<129x256xi32>
    %jit3A_414 = arith.constant 0 : i32
    %jit3A_415 = arith.constant 128 : i32
    %max3A_416 = vector.broadcast %jit3A_414 : i32 to vector<129x256xi32>
    %max3A_417 = arith.maxsi %max3A_416, %sub3A_413 : vector<129x256xi32>
    %min3A_418 = vector.broadcast %jit3A_415 : i32 to vector<129x256xi32>
    %min3A_419 = arith.minsi %min3A_418, %max3A_417 : vector<129x256xi32>
    %eq3A_420 = arith.constant 128 : i32
    %eq3A_421 = arith.cmpi eq, %add3A_409, %eq3A_420 : i32
    %jit3A_422 = arith.constant 0 : i32
    %broadcast_in_dim3A_423 = vector.broadcast %jit3A_422 : i32 to vector<129x256xi32>
    %select_n3A_424 = arith.select %eq3A_421, %broadcast_in_dim3A_423, %min3A_419 : vector<129x256xi32>
    %eq3A_425 = arith.constant 129 : i32
    %eq3A_426 = arith.cmpi eq, %add3A_409, %eq3A_425 : i32
    %jit3A_427 = arith.constant 128 : i32
    %broadcast_in_dim3A_428 = vector.broadcast %jit3A_427 : i32 to vector<129x256xi32>
    %select_n3A_429 = arith.select %eq3A_426, %broadcast_in_dim3A_428, %select_n3A_424 : vector<129x256xi32>
    %eq3A_430 = arith.cmpi eq, %iota3A_410, %select_n3A_429 : vector<129x256xi32>
    %convert_element_type3A_431 = arith.extui %eq3A_430 : vector<129x256xi1> to vector<129x256xi32>
    %convert_element_type3A_432 = arith.sitofp %convert_element_type3A_431 : vector<129x256xi32> to vector<129x256xf32>
    %get3A_433 = arith.constant 0 : index
    %get3A_434 = arith.constant 0 : index
    %get3A_435 = vector.load %arg1[%get3A_433, %get3A_434] : memref<129x64xf32, #tpu.memory_space<vmem>>, vector<129x64xf32>
    %dot_general3A_436 = arith.constant dense<0.000000e+00> : vector<64x256xf32>
    %dot_general3A_437 = tpu.matmul %get3A_435, %convert_element_type3A_432, %dot_general3A_436 {dimension_numbers = #tpu.dot_dimension_numbers<[0], [0], [1], [1], [0, 1, 1, 1], [], []>, transpose_lhs_hint = false} : vector<129x64xf32>, vector<129x256xf32>, vector<64x256xf32> -> vector<64x256xf32>
    %swap3A_438 = arith.constant 768 : index
    %swap3A_439 = arith.constant 0 : index
    %swap3A_440 = vector.load %arg2[%swap3A_438, %swap3A_439] : memref<832x256xf32, #tpu.memory_space<vmem>>, vector<64x256xf32>
    tpu.vector_store %arg2[%swap3A_438, %swap3A_439], %dot_general3A_437 {strides = array<i32>} : memref<832x256xf32, #tpu.memory_space<vmem>>, vector<64x256xf32>,
    return
  }
  func.func @transform_0(%arg0: i32) -> (i32, i32) {
    %c0_i32 = arith.constant 0 : i32
    %c0_i32_0 = arith.constant 0 : i32
    %c0_i32_1 = arith.constant 0 : i32
    return %c0_i32, %c0_i32_0 : i32, i32
  }
  func.func @transform_1(%arg0: i32) -> (i32, i32) {
    %c0_i32 = arith.constant 0 : i32
    %c0_i32_0 = arith.constant 0 : i32
    return %arg0, %c0_i32 : i32, i32
  }
}

</mosaic_0001>

<sc_bundles>
// kernel: kernel.4.cloned.1.call-start
scs
__scs_entry_jumppad:
0x0: {  	(pc) =	sbr.rel $0x88, $3  }
0x1: {  	(tag) =	ssettag $0x0;
	lr =	simm.s32 $0x1  }
0x2: {  	[smem:$0x3FA0] =	sst lr;
	_ =	strace $0xD0000000  }
0x3: {  	_ = 	snop  }
0x4: {  	_ = 	snop  }
0x5: {  	_ = 	snop  }
0x6: {  	_ = 	snop  }
0x7: {  	_ = 	snop  }
__scs_overlays_trampoline_lowered:
0x8: {  	[smem:$0x3FAF] =	sst s0  }
0x9: {  	[smem:$0x3FB0] =	sst s1  }
0xa: {  	[smem:$0x3FB1] =	sst s2  }
0xb: {  	[smem:$0x3FB2] =	sst s3  }
0xc: {  	[smem:$0x3FB3] =	sst s4  }
0xd: {  	[smem:$0x3FB4] =	sst s5  }
0xe: {  	[smem:$0x3FB5] =	sst s6  }
0xf: {  	[smem:$0x3FB6] =	sst s7  }
0x10: {  	[smem:$0x3FB7] =	sst s8  }
0x11: {  	[smem:$0x3FB8] =	sst s9;
	s0 =	simm.s32 @!p0 $0x0  }
0x12: {  	s1 =	sld [smem:$0x3F9E];
	s0 =	simm.s32 @p0 $0x1  }
0x13: {  	[smem:$0x3FB9] =	sst s0;
	s0 =	simm.s32 @!p1 $0x0  }
0x14: {  	s2 =	sld [smem:$0x3F9D];
	s0 =	simm.s32 @p1 $0x1  }
0x15: {  	[smem:$0x3FBA] =	sst s0;
	s0 =	simm.s32 @!p2 $0x0  }
0x16: {  	s3 =	sld [smem:$0x3FDB];
	s0 =	simm.s32 @p2 $0x1  }
0x17: {  	s4 =	simm.s32 $0x1BF5;
	[smem:$0x3FBC] =	sst s0  }
0x18: {  	s0 =	sld [smem:$0x3F9F];
	_ =	swait.ge [sflag:s4], $0x0  }
0x19: {  	s7 =	sld [smem:$0x3FA0]  }
0x1a: {  	s8 =	sadd.s32 $0xFFFFE003, lr  }
0x1b: {  	s9 =	sadd.s32 $0xFFFFFEF7, lr;
	s5 =	simm.s32 $0xFFFFFFFF;
	p2 =	slt.u32 s8, $0xFFFFF086  }
0x1c: {  	p1 =	slt.u32 s9, $0xF7A;
	s5 =	simm.s32 @!p2 $0x0  }
0x1d: {  	s5 =	simm.s32 @p1 $0x1;
	p0 =	seq.s32 s7, s2  }
0x1e: {  	s7 =	smul.u32 @!p0 $0xF7A, s2;
	p2 =	seq.s32 @!p0 s5, $0x0  }
0x1f: {  	s9 =	smul.u32 $0xF7A, s1;
	s8 =	simm.s32 @!p0 $0x1BF5;
	p2 =	por !p2, p0  }
0x20: {  	[sflag:s8] =	ssyncset.s32 @!p0 $0xFFFFF086;
	s6 =	sadd.s32 @!p0 s3, s7;
	s7 =	simm.s32 @!p0 $0x108  }
0x21: {  	s3 =	sadd.s32 s3, s9;
	s6 =	sadd.s32 @!p0 $0x88, s6;
	s7 =	simm.s32 @p2 $0x1082  }
0x22: {  	[simem:s7], [sflag:s8] =	dma.local @!p0 [hbm:s6], $0xF7A  }
0x23: {  	s9 =	sor.u32 $0xD0000000, s2;
	s6 =	simm.s32 $0x108;
	_ =	swait.ge @!p0 [sflag:s8], $0x0  }
0x24: {  	s3 =	sadd.s32 $0x88, s3;
	s6 =	simm.s32 @!p1 $0x1082;
	[sflag:s4] =	ssyncset.s32 $0xFFFFF086  }
0x25: {  	[simem:s6], [sflag:s4] =	dma.local [hbm:s3], $0xF7A  }
0x26: {  	[smem:$0x3FA0] =	sst s1;
	(tag) =	ssettag s2;
	_ =	strace s9  }
0x27: {  	s1 =	sld [smem:$0x3FB0]  }
0x28: {  	s2 =	sld [smem:$0x3FB1]  }
0x29: {  	s4 =	sld [smem:$0x3FB3]  }
0x2a: {  	p0 =	seq.s32 s5, $0x0;
	s5 =	sld [smem:$0x3FB4]  }
0x2b: {  	s6 =	sld [smem:$0x3FB5]  }
0x2c: {  	s7 =	sld [smem:$0x3FB6]  }
0x2d: {  	s3 =	simm.s32 $0x108;
	s8 =	sld [smem:$0x3FB7]  }
0x2e: {  	s3 =	simm.s32 @!p0 $0x1082;
	s9 =	sld [smem:$0x3FB8]  }
0x2f: {  	lr =	sadd.s32 s0, s3;
	s0 =	sld [smem:$0x3FAF]  }
0x30: {  	s3 =	sld [smem:$0x3FB2]  }
0x31: {  	[smem:$0x3FBB] =	sst s10  }
0x32: {  	s10 =	sld [smem:$0x3FB9];
	_ =	sdelay $0x3  }
0x33: {  	p0 =	seq.s32 s10, $0x1;
	s10 =	sld [smem:$0x3FBB];
	_ =	sdelay $0x3  }
0x34: {  	[smem:$0x3FBB] =	sst s10  }
0x35: {  	s10 =	sld [smem:$0x3FBA];
	_ =	sdelay $0x3  }
0x36: {  	p1 =	seq.s32 s10, $0x1;
	s10 =	sld [smem:$0x3FBB];
	_ =	sdelay $0x3  }
0x37: {  	[smem:$0x3FBB] =	sst s10  }
0x38: {  	s10 =	sld [smem:$0x3FBC]  }
0x39: {  	_ = 	snop;
	(pc) =	sbr.ind lr, $3  }
0x3a: {  	_ = 	snop  }
0x3b: {  	_ = 	snop  }
0x3c: {  	p2 =	seq.s32 s10, $0x1;
	s10 =	sld [smem:$0x3FBB]  }
0x3d: {  	_ =	shalt  }
0x3e: {  	_ =	shalt  }
0x3f: {  	_ =	shalt  }
0x40: {  	_ =	shalt  }
0x41: {  	_ =	shalt  }
0x42: {  	_ =	shalt  }
0x43: {  	_ =	shalt  }
0x44: {  	_ =	shalt  }
0x45: {  	_ =	shalt  }
0x46: {  	_ =	shalt  }
0x47: {  	_ =	shalt  }
0x48: {  	_ =	shalt  }
0x49: {  	_ =	shalt  }
0x4a: {  	_ =	shalt  }
0x4b: {  	_ =	shalt  }
0x4c: {  	_ =	shalt  }
0x4d: {  	_ =	shalt  }
0x4e: {  	_ =	shalt  }
0x4f: {  	_ =	shalt  }
0x50: {  	_ =	shalt  }
0x51: {  	_ =	shalt  }
0x52: {  	_ =	shalt  }
0x53: {  	_ =	shalt  }
0x54: {  	_ =	shalt  }
0x55: {  	_ =	shalt  }
0x56: {  	_ =	shalt  }
0x57: {  	_ =	shalt  }
0x58: {  	_ =	shalt  }
0x59: {  	_ =	shalt  }
0x5a: {  	_ =	shalt  }
0x5b: {  	_ =	shalt  }
0x5c: {  	_ =	shalt  }
0x5d: {  	_ =	shalt  }
0x5e: {  	_ =	shalt  }
0x5f: {  	_ =	shalt  }
0x60: {  	_ =	shalt  }
0x61: {  	_ =	shalt  }
0x62: {  	_ =	shalt  }
0x63: {  	_ =	shalt  }
0x64: {  	_ =	shalt  }
0x65: {  	_ =	shalt  }
0x66: {  	_ =	shalt  }
0x67: {  	_ =	shalt  }
0x68: {  	_ =	shalt  }
0x69: {  	_ =	shalt  }
0x6a: {  	_ =	shalt  }
0x6b: {  	_ =	shalt  }
0x6c: {  	_ =	shalt  }
0x6d: {  	_ =	shalt  }
0x6e: {  	_ =	shalt  }
0x6f: {  	_ =	shalt  }
0x70: {  	_ =	shalt  }
0x71: {  	_ =	shalt  }
0x72: {  	_ =	shalt  }
0x73: {  	_ =	shalt  }
0x74: {  	_ =	shalt  }
0x75: {  	_ =	shalt  }
0x76: {  	_ =	shalt  }
0x77: {  	_ =	shalt  }
0x78: {  	_ =	shalt  }
0x79: {  	_ =	shalt  }
0x7a: {  	_ =	shalt  }
0x7b: {  	_ =	shalt  }
0x7c: {  	_ =	shalt  }
0x7d: {  	_ =	shalt  }
0x7e: {  	_ =	shalt  }
0x7f: {  	_ =	shalt  }
0x80: {  	_ =	shalt  }
0x81: {  	_ =	shalt  }
0x82: {  	_ =	shalt  }
0x83: {  	_ =	shalt  }
0x84: {  	_ =	shalt  }
0x85: {  	_ =	shalt  }
0x86: {  	_ =	shalt  }
0x87: {  	_ =	shalt  }
.Lfunc_end0:
.L_simem_size_0:
called_computation_lowered:
.L_overlay_start_0:
0x88: {  	s2 =	sld [smem:$0x3FD9]  }
0x89: {  	s3 =	sld [smem:$0x3FFE];
	_ =	sdelay $0x1  }
0x8a: {  	s1 =	srdreg.scid  }
0x8b: {  	s0 =	sand.u32 $0x1, s1  }
0x8c: {  	s17 =	sshll.u32 s0, $0xA;
	s2 =	sadd.s32 s3, s2  }
0x8d: {  	s2 =	sadd.s32 s2, s17  }
0x8e: {  	[smem:$0x3FC7] =	sst s2  }
0x8f: {  	_ = 	snop  }
0x90: {  	s2 =	sld [smem:$0x3FD0];
	(tm) =	ssettm $0x1  }
0x91: {  	s18 =	sld [smem:$0x3FFB];
	_ =	sdelay $0x3  }
0x92: {  	_ =	strace s18  }
0x93: {  	s3 =	sld [smem:$0x3FFC];
	_ =	sdelay $0x3  }
0x94: {  	_ =	strace s3  }
0x95: {  	s3 =	sld [smem:$0x3FFD];
	_ =	sdelay $0x3  }
0x96: {  	_ =	strace s3  }
0x97: {  	_ =	strace $0x8FFFFFFF  }
0x98: {  	s19 =	sld [smem:$0x3FDB];
	_ =	sdelay $0x1  }
0x99: {  	s4 =	simm.s32 $_scs_section_size  }
0x9a: {  	s5 =	simm.s32 $_size__tile_overlayer_lowered;
	s6 =	simm.s32 $_tile_overlayer_lowered  }
0x9b: {  	s22 =	simm.s32 $0x1BFF;
	s21 =	sshll.u32 s6, $0x1;
	s3 =	sadd.s32 s4, s19  }
0x9c: {  	s7 =	simm.s32 $0x0;
	s20 =	sshll.u32 s5, $0x1;
	s5 =	sadd.s32 s21, s3  }
0x9d: {  	[timem:s7], [sflag:s22] =	dma.local [hbm:s5], s20  }
0x9e: {  	_ =	swait.ge [sflag:s22], s20  }
0x9f: {  	s4 =	ssub.s32 $0x0, s20;
	[sflag:s22] =	ssyncset.done $0x0  }
0xa0: {  	[sflag:s22] =	ssyncadd.s32 s4;
	_ =	sdelay $0x1  }
0xa1: {  	s23 =	simm.s32 $0x1B8B  }
0xa2: {  	_ =	swait.ge [sflag:s23], $0x1  }
0xa3: {  	[sflag:s23] =	ssyncset.done $0x0  }
0xa4: {  	s25 =	simm.s32 $0x1B8E;
	s24 =	sld [smem:$0x3FFE];
	[sflag:s23] =	ssyncadd.s32 $0xFFFFFFFF  }
0xa5: {  	s26 =	simm.s32 $execute0_lowered;
	[smem:$0x3FD2] =	sst s25  }
0xa6: {  	s5 =	sshll.u32 s26, $0x1;
	_ =	strace $0x80000046;
	[dreg:$0x1] =	wrdreg $0xFFFFFFFF  }
0xa7: {  	s28 =	simm.s32 $_size_execute0_lowered;
	s3 =	sadd.s32 s3, s5;
	[dreg:$0x0] =	wrdreg $0x0  }
0xa8: {  	s5 =	sshll.u32 s28, $0x1;
	[dreg:$0x2] =	wrdreg s3  }
0xa9: {  	[dreg:$0x3] =	wrdreg s5  }
0xaa: {  	[dreg:$0x4] =	wrdreg $0xC0  }
0xab: {  	_ =	task [dreg:s7], $0x5FFFF  }
0xac: {  	[dreg:$0x1] =	wrdreg $0xFFFFFFFF  }
0xad: {  	[dreg:$0x0] =	wrdreg $0x60  }
0xae: {  	[dreg:$0x2] =	wrdreg s24  }
0xaf: {  	[dreg:$0x3] =	wrdreg s2  }
0xb0: {  	[dreg:$0x4] =	wrdreg $0x9  }
0xb1: {  	_ =	task.clear_ibuf [dreg:s7], $0x5FFFF;
	_ =	strace $0x90000046  }
0xb2: {  	s29 =	simm.s32 $0x9;
	_ =	strace $0x80000048  }
0xb3: {  	_ =	swait.ge [sflag:s29], $0x1  }
0xb4: {  	[sflag:s29] =	ssyncadd.s32 $0xFFFFFFFF  }
0xb5: {  	_ =	strace $0x90000048  }
0xb6: {  	_ =	sfence  }
0xb7: {  	s30 =	sld [smem:$0x0];
	_ =	sdelay $0x2  }
0xb8: {  	s31 =	sshll.u32 s1, $0xD;
	s1 =	sshrl.u32 s1, $0x2  }
0xb9: {  	s3 =	sand.u32 $0x4000, s31;
	s1 =	sadd.s32 s1, s30  }
0xba: {  	s0 =	sor.u32 s3, s0;
	s1 =	sshll.u32 s1, $0x11  }
0xbb: {  	s0 =	sor.u32 s1, s0  }
0xbc: {  	s0 =	sadd.s32 $0x8F2B, s0  }
0xbd: {  	[sflag:s0] =	ssyncadd.remote.s32 $0x1  }
0xbe: {  	_ =	sfence.sel $0xFFFF  }
0xbf: {  	[dreg:$0x0] =	wrdreg $0xFFFFFFFF;
	(pc) =	sbr.abs _section_cstart, $3  }
0xc0: {  	[dreg:$0x1] =	wrdreg $0xFFFFFFFF  }
0xc1: {  	_ =	task.clear_ibuf [dreg:s7], $0x2FFFF;
	_ =	strace $0x9FFFFFFF  }
0xc2: {  	(tm) =	ssettm $0x7FFFFFFF  }
0xc3: {  	_ =	shalt  }
tec
execute0_lowered:
.L_overlay_start_1:
0x0: {  	(tag) =	ssettag $0x1  }
0x1: {  	s0 =	srdreg.scid  }
0x2: {  	s17 =	stileid.u32;
	s0 =	sand.u32 $0x1, s0  }
0x3: {  	s1 =	sshll.u32 s17, $0x7;
	s2 =	sshll.u32 s0, $0x6  }
0x4: {  	s1 =	sor.u32 s2, s1  }
0x5: {  	s2 =	sadd.s32 $0x40, s1  }
0x6: {  	s2 =	sshrl.u32 s2, $0x7  }
0x7: {  	s2 =	sadd.s32 $0xFFFFFFFF, s2  }
0x8: {  	p0 =	sgt.s32 s2, $0x0;
	s3 =	smov.u32 s2  }
0x9: {  	s18 =	rddreg [dreg:$0x0];
	s3 =	simm.s32 @!p0 $0x0  }
0xa: {  	s19 =	rddreg [dreg:$0x1];
	s20 =	smin.u32 s3, $0xE  }
0xb: {  	s30 =	simm.s32 $0x4;
	s28 =	simm.s32 $0x3;
	s3 =	sadd.s32 $0x1, s20  }
0xc: {  	s29 =	simm.s32 $0x0;
	p6 =	sne.s32 s2, $0x2;
	p1 =	sne.s32 s3, $0x2  }
0xd: {  	s5 =	sadd.s32 $0x600, s18;
	s13 =	sadd.s32 $0x40800, s18;
	p0 =	por !p6, !p1  }
0xe: {  	p2 =	sne.s32 s2, $0x3;
	p3 =	sne.s32 s3, $0x3;
	s4 =	simm.s32 @!p0 $0x0  }
0xf: {  	p4 =	sne.s32 s3, $0x4;
	s4 =	simm.s32 @p0 $0x1;
	p0 =	por !p2, !p3  }
0x10: {  	p3 =	sne.s32 s2, $0x4;
	[smem:$0x7ED] =	sst s4;
	s4 =	simm.s32 @!p0 $0x0  }
0x11: {  	p5 =	sne.s32 s2, $0x5;
	s4 =	simm.s32 @p0 $0x1;
	p0 =	por !p3, !p4  }
0x12: {  	p6 =	sne.s32 s3, $0x5;
	[smem:$0x7EF] =	sst s4;
	s4 =	simm.s32 @!p0 $0x0  }
0x13: {  	p3 =	sne.s32 s2, $0x6;
	s4 =	simm.s32 @p0 $0x1;
	p0 =	por !p5, !p6  }
0x14: {  	p4 =	sne.s32 s3, $0x6;
	[smem:$0x7F1] =	sst s4;
	s4 =	simm.s32 @!p0 $0x0  }
0x15: {  	p5 =	sne.s32 s2, $0x7;
	s4 =	simm.s32 @p0 $0x1;
	p0 =	por !p3, !p4  }
0x16: {  	p6 =	sne.s32 s3, $0x7;
	[smem:$0x7F3] =	sst s4;
	s4 =	simm.s32 @!p0 $0x0  }
0x17: {  	p2 =	sne.s32 s2, $0x8;
	s4 =	simm.s32 @p0 $0x1;
	p0 =	por !p5, !p6  }
0x18: {  	p3 =	sne.s32 s3, $0x8;
	[smem:$0x7F5] =	sst s4;
	s4 =	simm.s32 @!p0 $0x0  }
0x19: {  	p4 =	sne.s32 s2, $0x9;
	p5 =	sne.s32 s3, $0x9;
	s4 =	simm.s32 @p0 $0x1  }
0x1a: {  	p6 =	por !p2, !p3;
	[smem:$0x7F7] =	sst s4;
	s4 =	simm.s32 $0x0  }
0x1b: {  	p2 =	sne.s32 s2, $0xA;
	p3 =	sne.s32 s3, $0xA;
	[smem:$0x7FF] =	sst s4  }
0x1c: {  	p1 =	por !p2, !p3;
	p0 =	por !p4, !p5;
	_ =	strace $0x80000047  }
0x1d: {  	p5 =	sne.s32 s2, $0xB;
	p4 =	sne.s32 s3, $0xB;
	s12 =	sld [smem:$0x7ED]  }
0x1e: {  	p2 =	por !p5, !p4;
	p4 =	sne.s32 s2, $0xC;
	p5 =	sne.s32 s3, $0xC  }
0x1f: {  	p3 =	por !p4, !p5;
	p4 =	sne.s32 s2, $0xD;
	p5 =	sne.s32 s3, $0xD  }
0x20: {  	p4 =	por !p4, !p5;
	s16 =	sld [smem:$0x7EF];
	p5 =	seq.s32 s12, $0x1  }
0x21: {  	s14 =	sadd.s32 $0x40900, s18;
	s15 =	sadd.s32 $0x40A00, s18;
	p5 =	por !p5, !p5  }
0x22: {  	s6 =	ssub.s32 $0x2, s0;
	s21 =	sshll.u32 s0, $0x11;
	s12 =	simm.s32 @!p5 $0x0  }
0x23: {  	s22 =	sld [smem:$0x7F1];
	s12 =	simm.s32 @p5 $0x1;
	p5 =	seq.s32 s16, $0x1  }
0x24: {  	s0 =	sshll.u32 s0, $0x14;
	s7 =	sshrl.u32 s6, $0x1;
	p5 =	por !p5, !p5  }
0x25: {  	s8 =	sxor.u32 $0x20000, s21;
	[smem:$0x7EE] =	sst s12;
	s12 =	simm.s32 @!p5 $0x0  }
0x26: {  	s23 =	sld [smem:$0x7F3];
	s12 =	simm.s32 @p5 $0x1;
	p5 =	seq.s32 s22, $0x1  }
0x27: {  	s9 =	sadd.s32 $0x20800, s21;
	s31 =	sor.u32 $0x1000, s21;
	p5 =	por !p5, !p5  }
0x28: {  	s11 =	ssub.s32 s6, s7;
	[smem:$0x7F0] =	sst s12;
	s12 =	simm.s32 @!p5 $0x0  }
0x29: {  	s24 =	sld [smem:$0x7F5];
	s12 =	simm.s32 @p5 $0x1;
	p5 =	seq.s32 s23, $0x1  }
0x2a: {  	s6 =	sadd.s32 $0x40600, s18;
	s7 =	sadd.s32 $0x40E00, s18;
	p5 =	por !p5, !p5  }
0x2b: {  	s9 =	sand.u32 $0x20800, s9;
	[smem:$0x7F2] =	sst s12;
	s12 =	simm.s32 @!p5 $0x0  }
0x2c: {  	s25 =	sld [smem:$0x7F7];
	s12 =	simm.s32 @p5 $0x1;
	p5 =	seq.s32 s24, $0x1  }
0x2d: {  	s8 =	sadd.s32 s5, s8;
	s9 =	sadd.s32 s5, s9;
	p5 =	por !p5, !p5  }
0x2e: {  	s11 =	smax.u32 s11, $0x1;
	[smem:$0x7F4] =	sst s12;
	s12 =	simm.s32 @!p5 $0x0  }
0x2f: {  	s10 =	ssub.s32 s3, s2;
	s12 =	simm.s32 @p5 $0x1;
	p5 =	seq.s32 s25, $0x1  }
0x30: {  	s26 =	sshll.u32 s20, $0x7;
	s10 =	sshll.u32 s10, $0xC;
	p5 =	por !p5, !p5  }
0x31: {  	s10 =	sshra.s32 s10, $0x2;
	[smem:$0x7F6] =	sst s12;
	s12 =	simm.s32 @!p5 $0x0  }
0x32: {  	[dreg:$0x3] =	wrdreg s11;
	s12 =	simm.s32 @p5 $0x1;
	p5 =	por !p6, !p6  }
0x33: {  	p0 =	por !p0, !p0;
	[smem:$0x7F8] =	sst s12;
	s12 =	simm.s32 @!p5 $0x0  }
0x34: {  	p2 =	por !p2, !p2;
	[dreg:$0x4] =	wrdreg s31;
	s12 =	simm.s32 @p5 $0x1  }
0x35: {  	p3 =	por !p3, !p3;
	[smem:$0x7F9] =	sst s12;
	s12 =	simm.s32 @!p0 $0x0  }
0x36: {  	p4 =	por !p4, !p4;
	s12 =	simm.s32 @p0 $0x1;
	p0 =	por !p1, !p1  }
0x37: {  	s22 =	sshll.u32 s17, $0x15;
	[smem:$0x7FA] =	sst s12;
	s12 =	simm.s32 @!p0 $0x0  }
0x38: {  	s19 =	sadd.s32 s22, s19;
	s12 =	simm.s32 @p0 $0x1;
	p0 =	seq.s32 s3, $0xE  }
0x39: {  	s16 =	sadd.s32 $0x40B00, s18;
	s19 =	sadd.s32 s0, s19;
	s0 =	simm.s32 @!p0 $0x0  }
0x3a: {  	s17 =	sadd.s32 $0x40C00, s18;
	s0 =	simm.s32 @p0 $0x1;
	p0 =	seq.s32 s3, $0xF  }
0x3b: {  	s21 =	sadd.s32 s26, s19;
	[smem:$0x7FC] =	sst s0;
	s0 =	simm.s32 @!p0 $0x0  }
0x3c: {  	s25 =	simm.s32 $0x1;
	[smem:$0x7FB] =	sst s12;
	s0 =	simm.s32 @p0 $0x1  }
0x3d: {  	s12 =	sadd.s32 $0x40700, s18;
	s18 =	sadd.s32 $0x40D00, s18;
	[smem:$0x7FD] =	sst s0  }
.LBB2_1:
0x3e: {  	[tilespmem:s4], [sflag:$0x4] =	stream.linear.gather [hbm4b:s6+s4], $0x400, $0x38;
	[tilespmem:$0x18000] =	vst v63  }
0x3f: {  	s0 =	simm.s32 $0x3000  }
0x40: {  	[tilespmem:s0], [sflag:$0x4] =	stream.linear.gather [hbm4b:s12+s4], $0x400, $0x38;
	[tilespmem:$0x18000] =	vst v63  }
0x41: {  	s23 =	simm.s32 $0x6000  }
0x42: {  	[tilespmem:s23], [sflag:$0x4] =	stream.linear.gather [hbm4b:s13+s4], $0x400, $0x38;
	[tilespmem:$0x18000] =	vst v63  }
0x43: {  	s24 =	simm.s32 $0x9000  }
0x44: {  	[tilespmem:s24], [sflag:$0x4] =	stream.linear.gather [hbm4b:s14+s4], $0x400, $0x38;
	[tilespmem:$0x18000] =	vst v63  }
0x45: {  	s26 =	simm.s32 $0xC000  }
0x46: {  	[tilespmem:s26], [sflag:$0x4] =	stream.linear.gather [hbm4b:s15+s4], $0x400, $0x38;
	[tilespmem:$0x18000] =	vst v63  }
0x47: {  	s31 =	simm.s32 $0xF000  }
0x48: {  	[tilespmem:s31], [sflag:$0x4] =	stream.linear.gather [hbm4b:s16+s4], $0x400, $0x38;
	[tilespmem:$0x18000] =	vst v63  }
0x49: {  	s3 =	simm.s32 $0x12000  }
0x4a: {  	[tilespmem:s3], [sflag:$0x4] =	stream.linear.gather [hbm4b:s17+s4], $0x400, $0x38;
	[tilespmem:$0x18000] =	vst v63  }
0x4b: {  	s11 =	simm.s32 $0x15000  }
0x4c: {  	[tilespmem:s11], [sflag:$0x4] =	stream.linear.gather [hbm4b:s18+s4], $0x400, $0x38;
	[tilespmem:$0x18000] =	vst v63  }
0x4d: {  	_ =	swait.ge [sflag:s30], $0x2000  }
0x4e: {  	[sflag:s30] =	ssyncset.done $0x0  }
0x4f: {  	s20 =	simm.s32 $0xC00;
	[sflag:s30] =	ssyncadd.s32 $0xFFFFE000  }
0x50: {  	[tilespmem:s20], [sflag:$0x4] =	stream.linear.gather [hbm4b:s7+s4], $0x400, $0x38;
	[tilespmem:$0x18000] =	vst v63  }
0x51: {  	s0 =	sadd.s32 $0x100, s7;
	s3 =	simm.s32 $0x3C00  }
0x52: {  	[tilespmem:s3], [sflag:$0x4] =	stream.linear.gather [hbm4b:s0+s4], $0x400, $0x38;
	[tilespmem:$0x18000] =	vst v63  }
0x53: {  	s11 =	simm.s32 $0x6C00;
	s3 =	sadd.s32 $0x200, s7  }
0x54: {  	[tilespmem:s11], [sflag:$0x4] =	stream.linear.gather [hbm4b:s3+s4], $0x400, $0x38;
	[tilespmem:$0x18000] =	vst v63  }
0x55: {  	s22 =	simm.s32 $0x9C00;
	s20 =	sadd.s32 $0x300, s7  }
0x56: {  	[tilespmem:s22], [sflag:$0x4] =	stream.linear.gather [hbm4b:s20+s4], $0x400, $0x38;
	[tilespmem:$0x18000] =	vst v63  }
0x57: {  	s23 =	simm.s32 $0xCC00;
	s22 =	sadd.s32 $0x400, s7  }
0x58: {  	[tilespmem:s23], [sflag:$0x4] =	stream.linear.gather [hbm4b:s22+s4], $0x400, $0x38;
	[tilespmem:$0x18000] =	vst v63  }
0x59: {  	s24 =	simm.s32 $0xFC00;
	s23 =	sadd.s32 $0x500, s7  }
0x5a: {  	[tilespmem:s24], [sflag:$0x4] =	stream.linear.gather [hbm4b:s23+s4], $0x400, $0x38;
	[tilespmem:$0x18000] =	vst v63  }
0x5b: {  	s26 =	simm.s32 $0x12C00;
	s24 =	sadd.s32 $0x600, s7  }
0x5c: {  	[tilespmem:s26], [sflag:$0x4] =	stream.linear.gather [hbm4b:s24+s4], $0x400, $0x38;
	[tilespmem:$0x18000] =	vst v63  }
0x5d: {  	s11 =	sadd.s32 $0x700, s7;
	s26 =	simm.s32 $0x15C00  }
0x5e: {  	[tilespmem:s26], [sflag:$0x4] =	stream.linear.gather [hbm4b:s11+s4], $0x400, $0x38;
	[tilespmem:$0x18000] =	vst v63  }
0x5f: {  	_ =	swait.ge [sflag:s30], $0x2000  }
0x60: {  	[sflag:s30] =	ssyncset.done $0x0  }
0x61: {  	s31 =	simm.s32 $0x1000;
	[sflag:s30] =	ssyncadd.s32 $0xFFFFE000  }
0x62: {  	[tilespmem:s31], [sflag:$0x4] =	stream.linear.gather [hbm4b:s6+s4], $0x400, $0x38;
	[tilespmem:$0x18000] =	vst v63  }
0x63: {  	s31 =	simm.s32 $0x4000  }
0x64: {  	[tilespmem:s31], [sflag:$0x4] =	stream.linear.gather [hbm4b:s12+s4], $0x400, $0x38;
	[tilespmem:$0x18000] =	vst v63  }
0x65: {  	s31 =	simm.s32 $0x7000  }
0x66: {  	[tilespmem:s31], [sflag:$0x4] =	stream.linear.gather [hbm4b:s13+s4], $0x400, $0x38;
	[tilespmem:$0x18000] =	vst v63  }
0x67: {  	s31 =	simm.s32 $0xA000  }
0x68: {  	[tilespmem:s31], [sflag:$0x4] =	stream.linear.gather [hbm4b:s14+s4], $0x400, $0x38;
	[tilespmem:$0x18000] =	vst v63  }
0x69: {  	s31 =	simm.s32 $0xD000  }
0x6a: {  	[tilespmem:s31], [sflag:$0x4] =	stream.linear.gather [hbm4b:s15+s4], $0x400, $0x38;
	[tilespmem:$0x18000] =	vst v63  }
0x6b: {  	s31 =	simm.s32 $0x10000  }
0x6c: {  	[tilespmem:s31], [sflag:$0x4] =	stream.linear.gather [hbm4b:s16+s4], $0x400, $0x38;
	[tilespmem:$0x18000] =	vst v63  }
0x6d: {  	s31 =	simm.s32 $0x13000  }
0x6e: {  	[tilespmem:s31], [sflag:$0x4] =	stream.linear.gather [hbm4b:s17+s4], $0x400, $0x38;
	[tilespmem:$0x18000] =	vst v63  }
0x6f: {  	s31 =	simm.s32 $0x16000  }
0x70: {  	[tilespmem:s31], [sflag:$0x4] =	stream.linear.gather [hbm4b:s18+s4], $0x400, $0x38;
	[tilespmem:$0x18000] =	vst v63  }
0x71: {  	_ =	swait.ge [sflag:s30], $0x2000  }
0x72: {  	[sflag:s30] =	ssyncset.done $0x0  }
0x73: {  	s31 =	simm.s32 $0x1C00;
	[sflag:s30] =	ssyncadd.s32 $0xFFFFE000  }
0x74: {  	[tilespmem:s31], [sflag:$0x4] =	stream.linear.gather [hbm4b:s7+s4], $0x400, $0x38;
	[tilespmem:$0x18000] =	vst v63  }
0x75: {  	s31 =	simm.s32 $0x4C00  }
0x76: {  	[tilespmem:s31], [sflag:$0x4] =	stream.linear.gather [hbm4b:s0+s4], $0x400, $0x38;
	[tilespmem:$0x18000] =	vst v63  }
0x77: {  	s31 =	simm.s32 $0x7C00  }
0x78: {  	[tilespmem:s31], [sflag:$0x4] =	stream.linear.gather [hbm4b:s3+s4], $0x400, $0x38;
	[tilespmem:$0x18000] =	vst v63  }
0x79: {  	s31 =	simm.s32 $0xAC00  }
0x7a: {  	[tilespmem:s31], [sflag:$0x4] =	stream.linear.gather [hbm4b:s20+s4], $0x400, $0x38;
	[tilespmem:$0x18000] =	vst v63  }
0x7b: {  	s31 =	simm.s32 $0xDC00  }
0x7c: {  	[tilespmem:s31], [sflag:$0x4] =	stream.linear.gather [hbm4b:s22+s4], $0x400, $0x38;
	[tilespmem:$0x18000] =	vst v63  }
0x7d: {  	s31 =	simm.s32 $0x10C00  }
0x7e: {  	[tilespmem:s31], [sflag:$0x4] =	stream.linear.gather [hbm4b:s23+s4], $0x400, $0x38;
	[tilespmem:$0x18000] =	vst v63  }
0x7f: {  	s31 =	simm.s32 $0x13C00  }
0x80: {  	[tilespmem:s31], [sflag:$0x4] =	stream.linear.gather [hbm4b:s24+s4], $0x400, $0x38;
	[tilespmem:$0x18000] =	vst v63  }
0x81: {  	s31 =	simm.s32 $0x16C00  }
0x82: {  	[tilespmem:s31], [sflag:$0x4] =	stream.linear.gather [hbm4b:s11+s4], $0x400, $0x38;
	[tilespmem:$0x18000] =	vst v63  }
0x83: {  	_ =	swait.ge [sflag:s30], $0x2000  }
0x84: {  	[sflag:s30] =	ssyncset.done $0x0  }
0x85: {  	s31 =	simm.s32 $0x2000;
	[sflag:s30] =	ssyncadd.s32 $0xFFFFE000  }
0x86: {  	[tilespmem:s31], [sflag:$0x4] =	stream.linear.gather [hbm4b:s6+s4], $0x400, $0x38;
	[tilespmem:$0x18000] =	vst v63  }
0x87: {  	s31 =	simm.s32 $0x5000  }
0x88: {  	[tilespmem:s31], [sflag:$0x4] =	stream.linear.gather [hbm4b:s12+s4], $0x400, $0x38;
	[tilespmem:$0x18000] =	vst v63  }
0x89: {  	s31 =	simm.s32 $0x8000  }
0x8a: {  	[tilespmem:s31], [sflag:$0x4] =	stream.linear.gather [hbm4b:s13+s4], $0x400, $0x38;
	[tilespmem:$0x18000] =	vst v63  }
0x8b: {  	s31 =	simm.s32 $0xB000  }
0x8c: {  	[tilespmem:s31], [sflag:$0x4] =	stream.linear.gather [hbm4b:s14+s4], $0x400, $0x38;
	[tilespmem:$0x18000] =	vst v63  }
0x8d: {  	s31 =	simm.s32 $0xE000  }
0x8e: {  	[tilespmem:s31], [sflag:$0x4] =	stream.linear.gather [hbm4b:s15+s4], $0x400, $0x38;
	[tilespmem:$0x18000] =	vst v63  }
0x8f: {  	s31 =	simm.s32 $0x11000  }
0x90: {  	[tilespmem:s31], [sflag:$0x4] =	stream.linear.gather [hbm4b:s16+s4], $0x400, $0x38;
	[tilespmem:$0x18000] =	vst v63  }
0x91: {  	s31 =	simm.s32 $0x14000  }
0x92: {  	[tilespmem:s31], [sflag:$0x4] =	stream.linear.gather [hbm4b:s17+s4], $0x400, $0x38;
	[tilespmem:$0x18000] =	vst v63  }
0x93: {  	s31 =	simm.s32 $0x17000  }
0x94: {  	[tilespmem:s31], [sflag:$0x4] =	stream.linear.gather [hbm4b:s18+s4], $0x400, $0x38;
	[tilespmem:$0x18000] =	vst v63  }
0x95: {  	_ =	swait.ge [sflag:s30], $0x2000  }
0x96: {  	[sflag:s30] =	ssyncset.done $0x0  }
0x97: {  	s31 =	simm.s32 $0x2C00;
	[sflag:s30] =	ssyncadd.s32 $0xFFFFE000  }
0x98: {  	[tilespmem:s31], [sflag:$0x4] =	stream.linear.gather [hbm4b:s7+s4], $0x400, $0x38;
	[tilespmem:$0x18000] =	vst v63  }
0x99: {  	s31 =	simm.s32 $0x5C00  }
0x9a: {  	[tilespmem:s31], [sflag:$0x4] =	stream.linear.gather [hbm4b:s0+s4], $0x400, $0x38;
	[tilespmem:$0x18000] =	vst v63  }
0x9b: {  	s31 =	simm.s32 $0x8C00  }
0x9c: {  	[tilespmem:s31], [sflag:$0x4] =	stream.linear.gather [hbm4b:s3+s4], $0x400, $0x38;
	[tilespmem:$0x18000] =	vst v63  }
0x9d: {  	s3 =	simm.s32 $0xBC00  }
0x9e: {  	[tilespmem:s3], [sflag:$0x4] =	stream.linear.gather [hbm4b:s20+s4], $0x400, $0x38;
	[tilespmem:$0x18000] =	vst v63  }
0x9f: {  	s20 =	simm.s32 $0xEC00  }
0xa0: {  	[tilespmem:s20], [sflag:$0x4] =	stream.linear.gather [hbm4b:s22+s4], $0x400, $0x38;
	[tilespmem:$0x18000] =	vst v63  }
0xa1: {  	s26 =	simm.s32 $0x11C00  }
0xa2: {  	[tilespmem:s26], [sflag:$0x4] =	stream.linear.gather [hbm4b:s23+s4], $0x400, $0x38;
	[tilespmem:$0x18000] =	vst v63  }
0xa3: {  	s31 =	simm.s32 $0x14C00  }
0xa4: {  	[tilespmem:s31], [sflag:$0x4] =	stream.linear.gather [hbm4b:s24+s4], $0x400, $0x38;
	[tilespmem:$0x18000] =	vst v63  }
0xa5: {  	s3 =	simm.s32 $0x17C00  }
0xa6: {  	[tilespmem:s3], [sflag:$0x4] =	stream.linear.gather [hbm4b:s11+s4], $0x400, $0x38;
	[tilespmem:$0x18000] =	vst v63  }
0xa7: {  	_ =	swait.ge [sflag:s30], $0x2000  }
0xa8: {  	[sflag:s30] =	ssyncset.done $0x0  }
0xa9: {  	s11 =	simm.s32 $0x400;
	[sflag:s30] =	ssyncadd.s32 $0xFFFFE000  }
0xaa: {  	[tilespmem:s11], [sflag:$0x1] =	stream.linear.gather [hbm4b:s8+s4], $0x800, $0x38;
	[tilespmem:$0x18000] =	vst v63  }
0xab: {  	s20 =	sadd.s32 $0x100, s8;
	s22 =	simm.s32 $0x3400  }
0xac: {  	[tilespmem:s22], [sflag:$0x1] =	stream.linear.gather [hbm4b:s20+s4], $0x800, $0x38;
	[tilespmem:$0x18000] =	vst v63  }
0xad: {  	s23 =	sadd.s32 $0x200, s8;
	s24 =	simm.s32 $0x6400  }
0xae: {  	[tilespmem:s24], [sflag:$0x1] =	stream.linear.gather [hbm4b:s23+s4], $0x800, $0x38;
	[tilespmem:$0x18000] =	vst v63  }
0xaf: {  	s26 =	sadd.s32 $0x300, s8;
	s31 =	simm.s32 $0x9400  }
0xb0: {  	[tilespmem:s31], [sflag:$0x1] =	stream.linear.gather [hbm4b:s26+s4], $0x800, $0x38;
	[tilespmem:$0x18000] =	vst v63  }
0xb1: {  	s3 =	sadd.s32 $0x400, s8;
	s11 =	simm.s32 $0xC400  }
0xb2: {  	[tilespmem:s11], [sflag:$0x1] =	stream.linear.gather [hbm4b:s3+s4], $0x800, $0x38;
	[tilespmem:$0x18000] =	vst v63  }
0xb3: {  	s20 =	sadd.s32 $0x500, s8;
	s22 =	simm.s32 $0xF400  }
0xb4: {  	[tilespmem:s22], [sflag:$0x1] =	stream.linear.gather [hbm4b:s20+s4], $0x800, $0x38;
	[tilespmem:$0x18000] =	vst v63  }
0xb5: {  	s23 =	sadd.s32 $0x600, s8;
	s24 =	simm.s32 $0x12400  }
0xb6: {  	[tilespmem:s24], [sflag:$0x1] =	stream.linear.gather [hbm4b:s23+s4], $0x800, $0x38;
	[tilespmem:$0x18000] =	vst v63  }
0xb7: {  	s26 =	sadd.s32 $0x700, s8;
	s31 =	simm.s32 $0x15400  }
0xb8: {  	[tilespmem:s31], [sflag:$0x1] =	stream.linear.gather [hbm4b:s26+s4], $0x800, $0x38;
	[tilespmem:$0x18000] =	vst v63  }
0xb9: {  	s11 =	simm.s32 $0x1400  }
0xba: {  	[tilespmem:s11], [sflag:$0x1] =	stream.linear.gather [hbm4b:s9+s4], $0x800, $0x38;
	[tilespmem:$0x18000] =	vst v63  }
0xbb: {  	s20 =	sadd.s32 $0x100, s9;
	s22 =	simm.s32 $0x4400  }
0xbc: {  	[tilespmem:s22], [sflag:$0x1] =	stream.linear.gather [hbm4b:s20+s4], $0x800, $0x38;
	[tilespmem:$0x18000] =	vst v63  }
0xbd: {  	s23 =	sadd.s32 $0x200, s9;
	s24 =	simm.s32 $0x7400  }
0xbe: {  	[tilespmem:s24], [sflag:$0x1] =	stream.linear.gather [hbm4b:s23+s4], $0x800, $0x38;
	[tilespmem:$0x18000] =	vst v63  }
0xbf: {  	s26 =	sadd.s32 $0x300, s9;
	s31 =	simm.s32 $0xA400  }
0xc0: {  	[tilespmem:s31], [sflag:$0x1] =	stream.linear.gather [hbm4b:s26+s4], $0x800, $0x38;
	[tilespmem:$0x18000] =	vst v63  }
0xc1: {  	s3 =	sadd.s32 $0x400, s9;
	s11 =	simm.s32 $0xD400  }
0xc2: {  	[tilespmem:s11], [sflag:$0x1] =	stream.linear.gather [hbm4b:s3+s4], $0x800, $0x38;
	[tilespmem:$0x18000] =	vst v63  }
0xc3: {  	s0 =	simm.s32 $0x0;
	s20 =	sadd.s32 $0x500, s9;
	s22 =	simm.s32 $0x10400  }
0xc4: {  	[tilespmem:s22], [sflag:$0x1] =	stream.linear.gather [hbm4b:s20+s4], $0x800, $0x38;
	[tilespmem:$0x18000] =	vst v63  }
0xc5: {  	s23 =	sadd.s32 $0x600, s9;
	s24 =	simm.s32 $0x13400;
	s26 =	sadd.s32 $0x700, s9  }
0xc6: {  	[tilespmem:s24], [sflag:$0x1] =	stream.linear.gather [hbm4b:s23+s4], $0x800, $0x38;
	[tilespmem:$0x18000] =	vst v63  }
0xc7: {  	s31 =	simm.s32 $0x16400;
	s3 =	simm.s32 $0x0;
	s20 =	rddreg [dreg:$0x4]  }
0xc8: {  	[tilespmem:s31], [sflag:$0x1] =	stream.linear.gather [hbm4b:s26+s4], $0x800, $0x38;
	[tilespmem:$0x18000] =	vst v63  }
.LBB2_2:
0xc9: {  	p5 =	seq.s32 s3, $0x0  }
0xca: {  	s11 =	simm.s32 @!p5 $0x2  }
0xcb: {  	p6 =	sgt.u32 @!p5 s0, $0x3D;
	_ =	swait.ge @!p5 [sflag:s11], $0x4000  }
0xcc: {  	p6 =	por p5, !p6;
	[sflag:s11] =	ssyncset.done @!p5 $0x0  }
0xcd: {  	[sflag:s11] =	ssyncadd.s32 @!p5 $0xFFFFC000;
	s11 =	sadd.s32 @p6 $0x2, s0  }
0xce: {  	s22 =	smul.u32 @p6 $0xAB, s11;
	_ =	sdelay $0x1  }
0xcf: {  	s22 =	sshrl.u32 @p6 s22, $0x9  }
0xd0: {  	s22 =	sand.u32 @p6 $0x7F, s22  }
0xd1: {  	s22 =	smul.u32 @p6 $0x3, s22;
	_ =	sdelay $0x1  }
0xd2: {  	s11 =	ssub.s32 @p6 s11, s22  }
0xd3: {  	s22 =	sand.u32 @p6 $0x3F800, s20;
	s11 =	sand.u32 @p6 $0xFF, s11  }
0xd4: {  	s22 =	sxor.u32 @p6 $0x20000, s22;
	s11 =	sshll.u32 @p6 s11, $0xC  }
0xd5: {  	s22 =	sadd.s32 @p6 s5, s22;
	s23 =	sor.u32 @p6 $0x400, s11  }
0xd6: {  	[tilespmem:s23], [sflag:$0x1] =	stream.linear.gather @p6 [hbm4b:s22+s4], $0x800, $0x38;
	[tilespmem:$0x18000] =	vst v63  }
0xd7: {  	s24 =	sadd.s32 @p6 $0x3400, s11;
	s23 =	sadd.s32 @p6 $0x100, s22  }
0xd8: {  	[tilespmem:s24], [sflag:$0x1] =	stream.linear.gather @p6 [hbm4b:s23+s4], $0x800, $0x38;
	[tilespmem:$0x18000] =	vst v63  }
0xd9: {  	s23 =	sadd.s32 @p6 $0x200, s22;
	s24 =	sadd.s32 @p6 $0x6400, s11  }
0xda: {  	[tilespmem:s24], [sflag:$0x1] =	stream.linear.gather @p6 [hbm4b:s23+s4], $0x800, $0x38;
	[tilespmem:$0x18000] =	vst v63  }
0xdb: {  	s23 =	sadd.s32 @p6 $0x300, s22;
	s24 =	sadd.s32 @p6 $0x9400, s11  }
0xdc: {  	[tilespmem:s24], [sflag:$0x1] =	stream.linear.gather @p6 [hbm4b:s23+s4], $0x800, $0x38;
	[tilespmem:$0x18000] =	vst v63  }
0xdd: {  	s23 =	sadd.s32 @p6 $0x400, s22;
	s24 =	sor.u32 @p6 $0xC400, s11  }
0xde: {  	[tilespmem:s24], [sflag:$0x1] =	stream.linear.gather @p6 [hbm4b:s23+s4], $0x800, $0x38;
	[tilespmem:$0x18000] =	vst v63  }
0xdf: {  	s23 =	sadd.s32 @p6 $0x500, s22;
	s24 =	sadd.s32 @p6 $0xF400, s11  }
0xe0: {  	[tilespmem:s24], [sflag:$0x1] =	stream.linear.gather @p6 [hbm4b:s23+s4], $0x800, $0x38;
	[tilespmem:$0x18000] =	vst v63  }
0xe1: {  	s23 =	sadd.s32 @p6 $0x600, s22;
	s24 =	sadd.s32 @p6 $0x12400, s11  }
0xe2: {  	[tilespmem:s24], [sflag:$0x1] =	stream.linear.gather @p6 [hbm4b:s23+s4], $0x800, $0x38;
	[tilespmem:$0x18000] =	vst v63  }
0xe3: {  	s22 =	sadd.s32 @p6 $0x700, s22;
	s11 =	sadd.s32 @p6 $0x15400, s11;
	s24 =	smul.u32 $0xAB, s0  }
0xe4: {  	[tilespmem:s11], [sflag:$0x1] =	stream.linear.gather @p6 [hbm4b:s22+s4], $0x800, $0x38;
	[tilespmem:$0x18000] =	vst v63  }
0xe5: {  	s11 =	sshrl.u32 s24, $0x9  }
0xe6: {  	s11 =	sand.u32 $0x7F, s11  }
0xe7: {  	s11 =	smul.u32 $0x3, s11;
	_ =	sdelay $0x1  }
0xe8: {  	s11 =	ssub.s32 s0, s11  }
0xe9: {  	_ =	swait.ge [sflag:s25], $0x4000;
	s11 =	sand.u32 $0xFF, s11  }
0xea: {  	[sflag:s25] =	ssyncset.done $0x0;
	s11 =	sshll.u32 s11, $0xC  }
0xeb: {  	s23 =	sadd.s32 s3, s21;
	[sflag:s25] =	ssyncadd.s32 $0xFFFFC000;
	s11 =	sadd.s32 s11, s10  }
0xec: {  	[hbm4b:s23+s4] =	stream.linear.scatter [tilespmem:s11], [sflag:$0x2], $0x800, $0x38;
	[tilespmem:$0x18000] =	vst v63  }
0xed: {  	s31 =	sadd.s32 $0x800, s23;
	s26 =	sadd.s32 $0x3000, s11  }
0xee: {  	[hbm4b:s31+s4] =	stream.linear.scatter [tilespmem:s26], [sflag:$0x2], $0x800, $0x38;
	[tilespmem:$0x18000] =	vst v63  }
0xef: {  	s26 =	sadd.s32 $0x6000, s11;
	s31 =	sadd.s32 $0x1000, s23  }
0xf0: {  	[hbm4b:s31+s4] =	stream.linear.scatter [tilespmem:s26], [sflag:$0x2], $0x800, $0x38;
	[tilespmem:$0x18000] =	vst v63  }
0xf1: {  	s26 =	sadd.s32 $0x9000, s11;
	s31 =	sadd.s32 $0x1800, s23  }
0xf2: {  	[hbm4b:s31+s4] =	stream.linear.scatter [tilespmem:s26], [sflag:$0x2], $0x800, $0x38;
	[tilespmem:$0x18000] =	vst v63  }
0xf3: {  	s26 =	sadd.s32 $0xC000, s11;
	s31 =	sadd.s32 $0x2000, s23  }
0xf4: {  	[hbm4b:s31+s4] =	stream.linear.scatter [tilespmem:s26], [sflag:$0x2], $0x800, $0x38;
	[tilespmem:$0x18000] =	vst v63  }
0xf5: {  	s26 =	sadd.s32 $0xF000, s11;
	s31 =	sadd.s32 $0x2800, s23  }
0xf6: {  	[hbm4b:s31+s4] =	stream.linear.scatter [tilespmem:s26], [sflag:$0x2], $0x800, $0x38;
	[tilespmem:$0x18000] =	vst v63  }
0xf7: {  	s22 =	sadd.s32 s0, s1;
	s26 =	sadd.s32 $0x12000, s11;
	s31 =	sadd.s32 $0x3000, s23  }
0xf8: {  	[hbm4b:s31+s4] =	stream.linear.scatter [tilespmem:s26], [sflag:$0x2], $0x800, $0x38;
	[tilespmem:$0x18000] =	vst v63  }
0xf9: {  	p6 =	slt.u32 s22, $0xC0;
	s11 =	sadd.s32 $0x15000, s11;
	s23 =	sadd.s32 $0x3800, s23  }
0xfa: {  	[hbm4b:s23+s4] =	stream.linear.scatter [tilespmem:s11], [sflag:$0x2], $0x800, $0x38;
	[tilespmem:$0x18000] =	vst v63  }
0xfb: {  	s11 =	sadd.s32 @!p6 s3, s19;
	s23 =	simm.s32 @!p6 $0x0  }
0xfc: {  	[hbm4b:s11+s23] =	stream.linear.scatter @!p6 [tilespmem:s23], [sflag:$0x3], $0x400, $0x38;
	[tilespmem:$0x18000] =	vst v63  }
0xfd: {  	s31 =	simm.s32 @!p6 $0x3000;
	s24 =	sadd.s32 @!p6 $0x800, s11  }
0xfe: {  	[hbm4b:s24+s23] =	stream.linear.scatter @!p6 [tilespmem:s31], [sflag:$0x3], $0x400, $0x38;
	[tilespmem:$0x18000] =	vst v63  }
0xff: {  	s24 =	sadd.s32 @!p6 $0x1000, s11;
	s31 =	simm.s32 @!p6 $0x6000  }
0x100: {  	[hbm4b:s24+s23] =	stream.linear.scatter @!p6 [tilespmem:s31], [sflag:$0x3], $0x400, $0x38;
	[tilespmem:$0x18000] =	vst v63  }
0x101: {  	s24 =	sadd.s32 @!p6 $0x1800, s11;
	s31 =	simm.s32 @!p6 $0x9000  }
0x102: {  	[hbm4b:s24+s23] =	stream.linear.scatter @!p6 [tilespmem:s31], [sflag:$0x3], $0x400, $0x38;
	[tilespmem:$0x18000] =	vst v63  }
0x103: {  	p0 =	seq.s32 @!p6 s2, $0x1;
	s24 =	sadd.s32 @!p6 $0x2000, s11;
	s31 =	simm.s32 @!p6 $0xC000  }
0x104: {  	[hbm4b:s24+s23] =	stream.linear.scatter @!p6 [tilespmem:s31], [sflag:$0x3], $0x400, $0x38;
	[tilespmem:$0x18000] =	vst v63  }
0x105: {  	p5 =	por p0, p6;
	s24 =	sadd.s32 @!p6 $0x2800, s11;
	s31 =	simm.s32 @!p6 $0xF000  }
0x106: {  	[hbm4b:s24+s23] =	stream.linear.scatter @!p6 [tilespmem:s31], [sflag:$0x3], $0x400, $0x38;
	[tilespmem:$0x18000] =	vst v63  }
0x107: {  	p1 =	slt.u32 @!p5 s22, $0x140;
	s24 =	sadd.s32 @!p6 $0x3000, s11;
	s31 =	simm.s32 @!p6 $0x12000  }
0x108: {  	[hbm4b:s24+s23] =	stream.linear.scatter @!p6 [tilespmem:s31], [sflag:$0x3], $0x400, $0x38;
	[tilespmem:$0x18000] =	vst v63  }
0x109: {  	p0 =	por @!p6 !p1, p0;
	s11 =	sadd.s32 @!p6 $0x3800, s11;
	s24 =	simm.s32 @!p6 $0x15000  }
0x10a: {  	[hbm4b:s11+s23] =	stream.linear.scatter @!p6 [tilespmem:s24], [sflag:$0x3], $0x400, $0x38;
	[tilespmem:$0x18000] =	vst v63  }
0x10b: {  	p0 =	por !p0, p6;
	s11 =	simm.s32 @!p5 $0xC00;
	s23 =	sadd.s32 @!p5 s3, s19  }
0x10c: {  	s31 =	simm.s32 @!p5 $0x0;
	s11 =	simm.s32 @!p0 $0x0;
	s24 =	sadd.s32 @!p5 $0x80, s23  }
0x10d: {  	[hbm4b:s24+s31] =	stream.linear.scatter @!p5 [tilespmem:s11], [sflag:$0x3], $0x400, $0x38;
	[tilespmem:$0x18000] =	vst v63  }
0x10e: {  	s26 =	sadd.s32 @!p5 $0x880, s23;
	s24 =	sor.u32 @!p5 $0x3000, s11  }
0x10f: {  	[hbm4b:s26+s31] =	stream.linear.scatter @!p5 [tilespmem:s24], [sflag:$0x3], $0x400, $0x38;
	[tilespmem:$0x18000] =	vst v63  }
0x110: {  	s24 =	sor.u32 @!p5 $0x6000, s11;
	s26 =	sadd.s32 @!p5 $0x1080, s23  }
0x111: {  	[hbm4b:s26+s31] =	stream.linear.scatter @!p5 [tilespmem:s24], [sflag:$0x3], $0x400, $0x38;
	[tilespmem:$0x18000] =	vst v63  }
0x112: {  	s24 =	sor.u32 @!p5 $0x9000, s11;
	s26 =	sadd.s32 @!p5 $0x1880, s23  }
0x113: {  	[hbm4b:s26+s31] =	stream.linear.scatter @!p5 [tilespmem:s24], [sflag:$0x3], $0x400, $0x38;
	[tilespmem:$0x18000] =	vst v63  }
0x114: {  	s24 =	sor.u32 @!p5 $0xC000, s11;
	s26 =	sadd.s32 @!p5 $0x2080, s23  }
0x115: {  	[hbm4b:s26+s31] =	stream.linear.scatter @!p5 [tilespmem:s24], [sflag:$0x3], $0x400, $0x38;
	[tilespmem:$0x18000] =	vst v63  }
0x116: {  	s24 =	sor.u32 @!p5 $0xF000, s11;
	s26 =	sadd.s32 @!p5 $0x2880, s23  }
0x117: {  	[hbm4b:s26+s31] =	stream.linear.scatter @!p5 [tilespmem:s24], [sflag:$0x3], $0x400, $0x38;
	[tilespmem:$0x18000] =	vst v63  }
0x118: {  	s24 =	sor.u32 @!p5 $0x12000, s11;
	s26 =	sadd.s32 @!p5 $0x3080, s23  }
0x119: {  	[hbm4b:s26+s31] =	stream.linear.scatter @!p5 [tilespmem:s24], [sflag:$0x3], $0x400, $0x38;
	[tilespmem:$0x18000] =	vst v63  }
0x11a: {  	s24 =	sld [smem:$0x7EE]  }
0x11b: {  	s11 =	sor.u32 @!p5 $0x15000, s11;
	s23 =	sadd.s32 @!p5 $0x3880, s23  }
0x11c: {  	[hbm4b:s23+s31] =	stream.linear.scatter @!p5 [tilespmem:s11], [sflag:$0x3], $0x400, $0x38;
	[tilespmem:$0x18000] =	vst v63  }
0x11d: {  	p1 =	seq.s32 s24, $0x1  }
0x11e: {  	p0 =	sgt.u32 @p1 s22, $0x1BF  }
0x11f: {  	s11 =	simm.s32 @p1 $0x0;
	s23 =	sadd.s32 @p1 s3, s19;
	p0 =	por !p0, !p1  }
0x120: {  	s24 =	simm.s32 @p1 $0x0;
	s26 =	sadd.s32 @p1 $0x100, s23;
	s11 =	simm.s32 @p0 $0xC00  }
0x121: {  	[hbm4b:s26+s24] =	stream.linear.scatter @p1 [tilespmem:s11], [sflag:$0x3], $0x400, $0x38;
	[tilespmem:$0x18000] =	vst v63  }
0x122: {  	s31 =	sadd.s32 @p1 $0x900, s23;
	s26 =	sor.u32 @p1 $0x3000, s11  }
0x123: {  	[hbm4b:s31+s24] =	stream.linear.scatter @p1 [tilespmem:s26], [sflag:$0x3], $0x400, $0x38;
	[tilespmem:$0x18000] =	vst v63  }
0x124: {  	s26 =	sor.u32 @p1 $0x6000, s11;
	s31 =	sadd.s32 @p1 $0x1100, s23  }
0x125: {  	[hbm4b:s31+s24] =	stream.linear.scatter @p1 [tilespmem:s26], [sflag:$0x3], $0x400, $0x38;
	[tilespmem:$0x18000] =	vst v63  }
0x126: {  	s26 =	sor.u32 @p1 $0x9000, s11;
	s31 =	sadd.s32 @p1 $0x1900, s23  }
0x127: {  	[hbm4b:s31+s24] =	stream.linear.scatter @p1 [tilespmem:s26], [sflag:$0x3], $0x400, $0x38;
	[tilespmem:$0x18000] =	vst v63  }
0x128: {  	s26 =	sor.u32 @p1 $0xC000, s11;
	s31 =	sadd.s32 @p1 $0x2100, s23  }
0x129: {  	[hbm4b:s31+s24] =	stream.linear.scatter @p1 [tilespmem:s26], [sflag:$0x3], $0x400, $0x38;
	[tilespmem:$0x18000] =	vst v63  }
0x12a: {  	s26 =	sor.u32 @p1 $0xF000, s11;
	s31 =	sadd.s32 @p1 $0x2900, s23  }
0x12b: {  	[hbm4b:s31+s24] =	stream.linear.scatter @p1 [tilespmem:s26], [sflag:$0x3], $0x400, $0x38;
	[tilespmem:$0x18000] =	vst v63  }
0x12c: {  	s26 =	sor.u32 @p1 $0x12000, s11;
	s31 =	sadd.s32 @p1 $0x3100, s23  }
0x12d: {  	[hbm4b:s31+s24] =	stream.linear.scatter @p1 [tilespmem:s26], [sflag:$0x3], $0x400, $0x38;
	[tilespmem:$0x18000] =	vst v63  }
0x12e: {  	s26 =	sld [smem:$0x7F0]  }
0x12f: {  	s11 =	sor.u32 @p1 $0x15000, s11;
	s23 =	sadd.s32 @p1 $0x3900, s23  }
0x130: {  	[hbm4b:s23+s24] =	stream.linear.scatter @p1 [tilespmem:s11], [sflag:$0x3], $0x400, $0x38;
	[tilespmem:$0x18000] =	vst v63  }
0x131: {  	p1 =	seq.s32 s26, $0x1  }
0x132: {  	p0 =	sgt.u32 @p1 s22, $0x23F  }
0x133: {  	s11 =	simm.s32 @p1 $0x0;
	s23 =	sadd.s32 @p1 s3, s19;
	p0 =	por !p0, !p1  }
0x134: {  	s24 =	simm.s32 @p1 $0x0;
	s26 =	sadd.s32 @p1 $0x180, s23;
	s11 =	simm.s32 @p0 $0xC00  }
0x135: {  	[hbm4b:s26+s24] =	stream.linear.scatter @p1 [tilespmem:s11], [sflag:$0x3], $0x400, $0x38;
	[tilespmem:$0x18000] =	vst v63  }
0x136: {  	s31 =	sadd.s32 @p1 $0x980, s23;
	s26 =	sor.u32 @p1 $0x3000, s11  }
0x137: {  	[hbm4b:s31+s24] =	stream.linear.scatter @p1 [tilespmem:s26], [sflag:$0x3], $0x400, $0x38;
	[tilespmem:$0x18000] =	vst v63  }
0x138: {  	s26 =	sor.u32 @p1 $0x6000, s11;
	s31 =	sadd.s32 @p1 $0x1180, s23  }
0x139: {  	[hbm4b:s31+s24] =	stream.linear.scatter @p1 [tilespmem:s26], [sflag:$0x3], $0x400, $0x38;
	[tilespmem:$0x18000] =	vst v63  }
0x13a: {  	s26 =	sor.u32 @p1 $0x9000, s11;
	s31 =	sadd.s32 @p1 $0x1980, s23  }
0x13b: {  	[hbm4b:s31+s24] =	stream.linear.scatter @p1 [tilespmem:s26], [sflag:$0x3], $0x400, $0x38;
	[tilespmem:$0x18000] =	vst v63  }
0x13c: {  	s26 =	sor.u32 @p1 $0xC000, s11;
	s31 =	sadd.s32 @p1 $0x2180, s23  }
0x13d: {  	[hbm4b:s31+s24] =	stream.linear.scatter @p1 [tilespmem:s26], [sflag:$0x3], $0x400, $0x38;
	[tilespmem:$0x18000] =	vst v63  }
0x13e: {  	s26 =	sor.u32 @p1 $0xF000, s11;
	s31 =	sadd.s32 @p1 $0x2980, s23  }
0x13f: {  	[hbm4b:s31+s24] =	stream.linear.scatter @p1 [tilespmem:s26], [sflag:$0x3], $0x400, $0x38;
	[tilespmem:$0x18000] =	vst v63  }
0x140: {  	s26 =	sor.u32 @p1 $0x12000, s11;
	s31 =	sadd.s32 @p1 $0x3180, s23  }
0x141: {  	[hbm4b:s31+s24] =	stream.linear.scatter @p1 [tilespmem:s26], [sflag:$0x3], $0x400, $0x38;
	[tilespmem:$0x18000] =	vst v63  }
0x142: {  	s31 =	sld [smem:$0x7F2]  }
0x143: {  	s11 =	sor.u32 @p1 $0x15000, s11;
	s23 =	sadd.s32 @p1 $0x3980, s23  }
0x144: {  	[hbm4b:s23+s24] =	stream.linear.scatter @p1 [tilespmem:s11], [sflag:$0x3], $0x400, $0x38;
	[tilespmem:$0x18000] =	vst v63  }
0x145: {  	p1 =	seq.s32 s31, $0x1  }
0x146: {  	p0 =	sgt.u32 @p1 s22, $0x2BF  }
0x147: {  	s11 =	simm.s32 @p1 $0x0;
	s23 =	sadd.s32 @p1 s3, s19;
	p0 =	por !p0, !p1  }
0x148: {  	s24 =	simm.s32 @p1 $0x0;
	s26 =	sadd.s32 @p1 $0x200, s23;
	s11 =	simm.s32 @p0 $0xC00  }
0x149: {  	[hbm4b:s26+s24] =	stream.linear.scatter @p1 [tilespmem:s11], [sflag:$0x3], $0x400, $0x38;
	[tilespmem:$0x18000] =	vst v63  }
0x14a: {  	s31 =	sadd.s32 @p1 $0xA00, s23;
	s26 =	sor.u32 @p1 $0x3000, s11  }
0x14b: {  	[hbm4b:s31+s24] =	stream.linear.scatter @p1 [tilespmem:s26], [sflag:$0x3], $0x400, $0x38;
	[tilespmem:$0x18000] =	vst v63  }
0x14c: {  	s26 =	sor.u32 @p1 $0x6000, s11;
	s31 =	sadd.s32 @p1 $0x1200, s23  }
0x14d: {  	[hbm4b:s31+s24] =	stream.linear.scatter @p1 [tilespmem:s26], [sflag:$0x3], $0x400, $0x38;
	[tilespmem:$0x18000] =	vst v63  }
0x14e: {  	s26 =	sor.u32 @p1 $0x9000, s11;
	s31 =	sadd.s32 @p1 $0x1A00, s23  }
0x14f: {  	[hbm4b:s31+s24] =	stream.linear.scatter @p1 [tilespmem:s26], [sflag:$0x3], $0x400, $0x38;
	[tilespmem:$0x18000] =	vst v63  }
0x150: {  	s26 =	sor.u32 @p1 $0xC000, s11;
	s31 =	sadd.s32 @p1 $0x2200, s23  }
0x151: {  	[hbm4b:s31+s24] =	stream.linear.scatter @p1 [tilespmem:s26], [sflag:$0x3], $0x400, $0x38;
	[tilespmem:$0x18000] =	vst v63  }
0x152: {  	s26 =	sor.u32 @p1 $0xF000, s11;
	s31 =	sadd.s32 @p1 $0x2A00, s23  }
0x153: {  	[hbm4b:s31+s24] =	stream.linear.scatter @p1 [tilespmem:s26], [sflag:$0x3], $0x400, $0x38;
	[tilespmem:$0x18000] =	vst v63  }
0x154: {  	s26 =	sor.u32 @p1 $0x12000, s11;
	s31 =	sadd.s32 @p1 $0x3200, s23  }
0x155: {  	[hbm4b:s31+s24] =	stream.linear.scatter @p1 [tilespmem:s26], [sflag:$0x3], $0x400, $0x38;
	[tilespmem:$0x18000] =	vst v63  }
0x156: {  	s11 =	sor.u32 @p1 $0x15000, s11;
	s23 =	sadd.s32 @p1 $0x3A00, s23  }
0x157: {  	[hbm4b:s23+s24] =	stream.linear.scatter @p1 [tilespmem:s11], [sflag:$0x3], $0x400, $0x38;
	[tilespmem:$0x18000] =	vst v63  }
0x158: {  	s23 =	sld [smem:$0x7F4];
	_ =	sdelay $0x2  }
0x159: {  	p1 =	seq.s32 s23, $0x1  }
0x15a: {  	p0 =	sgt.u32 @p1 s22, $0x33F  }
0x15b: {  	s11 =	simm.s32 @p1 $0x0;
	s23 =	sadd.s32 @p1 s3, s19;
	p0 =	por !p0, !p1  }
0x15c: {  	s24 =	simm.s32 @p1 $0x0;
	s26 =	sadd.s32 @p1 $0x280, s23;
	s11 =	simm.s32 @p0 $0xC00  }
0x15d: {  	[hbm4b:s26+s24] =	stream.linear.scatter @p1 [tilespmem:s11], [sflag:$0x3], $0x400, $0x38;
	[tilespmem:$0x18000] =	vst v63  }
0x15e: {  	s31 =	sadd.s32 @p1 $0xA80, s23;
	s26 =	sor.u32 @p1 $0x3000, s11  }
0x15f: {  	[hbm4b:s31+s24] =	stream.linear.scatter @p1 [tilespmem:s26], [sflag:$0x3], $0x400, $0x38;
	[tilespmem:$0x18000] =	vst v63  }
0x160: {  	s26 =	sor.u32 @p1 $0x6000, s11;
	s31 =	sadd.s32 @p1 $0x1280, s23  }
0x161: {  	[hbm4b:s31+s24] =	stream.linear.scatter @p1 [tilespmem:s26], [sflag:$0x3], $0x400, $0x38;
	[tilespmem:$0x18000] =	vst v63  }
0x162: {  	s26 =	sor.u32 @p1 $0x9000, s11;
	s31 =	sadd.s32 @p1 $0x1A80, s23  }
0x163: {  	[hbm4b:s31+s24] =	stream.linear.scatter @p1 [tilespmem:s26], [sflag:$0x3], $0x400, $0x38;
	[tilespmem:$0x18000] =	vst v63  }
0x164: {  	s26 =	sor.u32 @p1 $0xC000, s11;
	s31 =	sadd.s32 @p1 $0x2280, s23  }
0x165: {  	[hbm4b:s31+s24] =	stream.linear.scatter @p1 [tilespmem:s26], [sflag:$0x3], $0x400, $0x38;
	[tilespmem:$0x18000] =	vst v63  }
0x166: {  	s26 =	sor.u32 @p1 $0xF000, s11;
	s31 =	sadd.s32 @p1 $0x2A80, s23  }
0x167: {  	[hbm4b:s31+s24] =	stream.linear.scatter @p1 [tilespmem:s26], [sflag:$0x3], $0x400, $0x38;
	[tilespmem:$0x18000] =	vst v63  }
0x168: {  	s26 =	sor.u32 @p1 $0x12000, s11;
	s31 =	sadd.s32 @p1 $0x3280, s23  }
0x169: {  	[hbm4b:s31+s24] =	stream.linear.scatter @p1 [tilespmem:s26], [sflag:$0x3], $0x400, $0x38;
	[tilespmem:$0x18000] =	vst v63  }
0x16a: {  	s11 =	sor.u32 @p1 $0x15000, s11;
	s23 =	sadd.s32 @p1 $0x3A80, s23  }
0x16b: {  	[hbm4b:s23+s24] =	stream.linear.scatter @p1 [tilespmem:s11], [sflag:$0x3], $0x400, $0x38;
	[tilespmem:$0x18000] =	vst v63  }
0x16c: {  	s24 =	sld [smem:$0x7F6];
	_ =	sdelay $0x2  }
0x16d: {  	p1 =	seq.s32 s24, $0x1  }
0x16e: {  	p0 =	sgt.u32 @p1 s22, $0x3BF  }
0x16f: {  	s11 =	simm.s32 @p1 $0x0;
	s23 =	sadd.s32 @p1 s3, s19;
	p0 =	por !p0, !p1  }
0x170: {  	s24 =	simm.s32 @p1 $0x0;
	s26 =	sadd.s32 @p1 $0x300, s23;
	s11 =	simm.s32 @p0 $0xC00  }
0x171: {  	[hbm4b:s26+s24] =	stream.linear.scatter @p1 [tilespmem:s11], [sflag:$0x3], $0x400, $0x38;
	[tilespmem:$0x18000] =	vst v63  }
0x172: {  	s31 =	sadd.s32 @p1 $0xB00, s23;
	s26 =	sor.u32 @p1 $0x3000, s11  }
0x173: {  	[hbm4b:s31+s24] =	stream.linear.scatter @p1 [tilespmem:s26], [sflag:$0x3], $0x400, $0x38;
	[tilespmem:$0x18000] =	vst v63  }
0x174: {  	s26 =	sor.u32 @p1 $0x6000, s11;
	s31 =	sadd.s32 @p1 $0x1300, s23  }
0x175: {  	[hbm4b:s31+s24] =	stream.linear.scatter @p1 [tilespmem:s26], [sflag:$0x3], $0x400, $0x38;
	[tilespmem:$0x18000] =	vst v63  }
0x176: {  	s26 =	sor.u32 @p1 $0x9000, s11;
	s31 =	sadd.s32 @p1 $0x1B00, s23  }
0x177: {  	[hbm4b:s31+s24] =	stream.linear.scatter @p1 [tilespmem:s26], [sflag:$0x3], $0x400, $0x38;
	[tilespmem:$0x18000] =	vst v63  }
0x178: {  	s26 =	sor.u32 @p1 $0xC000, s11;
	s31 =	sadd.s32 @p1 $0x2300, s23  }
0x179: {  	[hbm4b:s31+s24] =	stream.linear.scatter @p1 [tilespmem:s26], [sflag:$0x3], $0x400, $0x38;
	[tilespmem:$0x18000] =	vst v63  }
0x17a: {  	s26 =	sor.u32 @p1 $0xF000, s11;
	s31 =	sadd.s32 @p1 $0x2B00, s23  }
0x17b: {  	[hbm4b:s31+s24] =	stream.linear.scatter @p1 [tilespmem:s26], [sflag:$0x3], $0x400, $0x38;
	[tilespmem:$0x18000] =	vst v63  }
0x17c: {  	s26 =	sor.u32 @p1 $0x12000, s11;
	s31 =	sadd.s32 @p1 $0x3300, s23  }
0x17d: {  	[hbm4b:s31+s24] =	stream.linear.scatter @p1 [tilespmem:s26], [sflag:$0x3], $0x400, $0x38;
	[tilespmem:$0x18000] =	vst v63  }
0x17e: {  	s26 =	sld [smem:$0x7F8]  }
0x17f: {  	s11 =	sor.u32 @p1 $0x15000, s11;
	s23 =	sadd.s32 @p1 $0x3B00, s23  }
0x180: {  	[hbm4b:s23+s24] =	stream.linear.scatter @p1 [tilespmem:s11], [sflag:$0x3], $0x400, $0x38;
	[tilespmem:$0x18000] =	vst v63  }
0x181: {  	p1 =	seq.s32 s26, $0x1  }
0x182: {  	p0 =	sgt.u32 @p1 s22, $0x43F  }
0x183: {  	s11 =	simm.s32 @p1 $0x0;
	s23 =	sadd.s32 @p1 s3, s19;
	p0 =	por !p0, !p1  }
0x184: {  	s24 =	simm.s32 @p1 $0x0;
	s26 =	sadd.s32 @p1 $0x380, s23;
	s11 =	simm.s32 @p0 $0xC00  }
0x185: {  	[hbm4b:s26+s24] =	stream.linear.scatter @p1 [tilespmem:s11], [sflag:$0x3], $0x400, $0x38;
	[tilespmem:$0x18000] =	vst v63  }
0x186: {  	s31 =	sadd.s32 @p1 $0xB80, s23;
	s26 =	sor.u32 @p1 $0x3000, s11  }
0x187: {  	[hbm4b:s31+s24] =	stream.linear.scatter @p1 [tilespmem:s26], [sflag:$0x3], $0x400, $0x38;
	[tilespmem:$0x18000] =	vst v63  }
0x188: {  	s26 =	sor.u32 @p1 $0x6000, s11;
	s31 =	sadd.s32 @p1 $0x1380, s23  }
0x189: {  	[hbm4b:s31+s24] =	stream.linear.scatter @p1 [tilespmem:s26], [sflag:$0x3], $0x400, $0x38;
	[tilespmem:$0x18000] =	vst v63  }
0x18a: {  	s26 =	sor.u32 @p1 $0x9000, s11;
	s31 =	sadd.s32 @p1 $0x1B80, s23  }
0x18b: {  	[hbm4b:s31+s24] =	stream.linear.scatter @p1 [tilespmem:s26], [sflag:$0x3], $0x400, $0x38;
	[tilespmem:$0x18000] =	vst v63  }
0x18c: {  	s26 =	sor.u32 @p1 $0xC000, s11;
	s31 =	sadd.s32 @p1 $0x2380, s23  }
0x18d: {  	[hbm4b:s31+s24] =	stream.linear.scatter @p1 [tilespmem:s26], [sflag:$0x3], $0x400, $0x38;
	[tilespmem:$0x18000] =	vst v63  }
0x18e: {  	s26 =	sor.u32 @p1 $0xF000, s11;
	s31 =	sadd.s32 @p1 $0x2B80, s23  }
0x18f: {  	[hbm4b:s31+s24] =	stream.linear.scatter @p1 [tilespmem:s26], [sflag:$0x3], $0x400, $0x38;
	[tilespmem:$0x18000] =	vst v63  }
0x190: {  	s26 =	sor.u32 @p1 $0x12000, s11;
	s31 =	sadd.s32 @p1 $0x3380, s23  }
0x191: {  	[hbm4b:s31+s24] =	stream.linear.scatter @p1 [tilespmem:s26], [sflag:$0x3], $0x400, $0x38;
	[tilespmem:$0x18000] =	vst v63  }
0x192: {  	s31 =	sld [smem:$0x7F9]  }
0x193: {  	s11 =	sor.u32 @p1 $0x15000, s11;
	s23 =	sadd.s32 @p1 $0x3B80, s23  }
0x194: {  	[hbm4b:s23+s24] =	stream.linear.scatter @p1 [tilespmem:s11], [sflag:$0x3], $0x400, $0x38;
	[tilespmem:$0x18000] =	vst v63  }
0x195: {  	p1 =	seq.s32 s31, $0x1  }
0x196: {  	p0 =	sgt.u32 @p1 s22, $0x4BF  }
0x197: {  	s11 =	simm.s32 @p1 $0x0;
	s23 =	sadd.s32 @p1 s3, s19;
	p0 =	por !p0, !p1  }
0x198: {  	s24 =	simm.s32 @p1 $0x0;
	s26 =	sadd.s32 @p1 $0x400, s23;
	s11 =	simm.s32 @p0 $0xC00  }
0x199: {  	[hbm4b:s26+s24] =	stream.linear.scatter @p1 [tilespmem:s11], [sflag:$0x3], $0x400, $0x38;
	[tilespmem:$0x18000] =	vst v63  }
0x19a: {  	s31 =	sadd.s32 @p1 $0xC00, s23;
	s26 =	sor.u32 @p1 $0x3000, s11  }
0x19b: {  	[hbm4b:s31+s24] =	stream.linear.scatter @p1 [tilespmem:s26], [sflag:$0x3], $0x400, $0x38;
	[tilespmem:$0x18000] =	vst v63  }
0x19c: {  	s26 =	sor.u32 @p1 $0x6000, s11;
	s31 =	sadd.s32 @p1 $0x1400, s23  }
0x19d: {  	[hbm4b:s31+s24] =	stream.linear.scatter @p1 [tilespmem:s26], [sflag:$0x3], $0x400, $0x38;
	[tilespmem:$0x18000] =	vst v63  }
0x19e: {  	s26 =	sor.u32 @p1 $0x9000, s11;
	s31 =	sadd.s32 @p1 $0x1C00, s23  }
0x19f: {  	[hbm4b:s31+s24] =	stream.linear.scatter @p1 [tilespmem:s26], [sflag:$0x3], $0x400, $0x38;
	[tilespmem:$0x18000] =	vst v63  }
0x1a0: {  	s26 =	sor.u32 @p1 $0xC000, s11;
	s31 =	sadd.s32 @p1 $0x2400, s23  }
0x1a1: {  	[hbm4b:s31+s24] =	stream.linear.scatter @p1 [tilespmem:s26], [sflag:$0x3], $0x400, $0x38;
	[tilespmem:$0x18000] =	vst v63  }
0x1a2: {  	s26 =	sor.u32 @p1 $0xF000, s11;
	s31 =	sadd.s32 @p1 $0x2C00, s23  }
0x1a3: {  	[hbm4b:s31+s24] =	stream.linear.scatter @p1 [tilespmem:s26], [sflag:$0x3], $0x400, $0x38;
	[tilespmem:$0x18000] =	vst v63  }
0x1a4: {  	s26 =	sor.u32 @p1 $0x12000, s11;
	s31 =	sadd.s32 @p1 $0x3400, s23  }
0x1a5: {  	[hbm4b:s31+s24] =	stream.linear.scatter @p1 [tilespmem:s26], [sflag:$0x3], $0x400, $0x38;
	[tilespmem:$0x18000] =	vst v63  }
0x1a6: {  	s11 =	sor.u32 @p1 $0x15000, s11;
	s23 =	sadd.s32 @p1 $0x3C00, s23  }
0x1a7: {  	[hbm4b:s23+s24] =	stream.linear.scatter @p1 [tilespmem:s11], [sflag:$0x3], $0x400, $0x38;
	[tilespmem:$0x18000] =	vst v63  }
0x1a8: {  	s23 =	sld [smem:$0x7FA];
	_ =	sdelay $0x2  }
0x1a9: {  	p1 =	seq.s32 s23, $0x1  }
0x1aa: {  	p0 =	sgt.u32 @p1 s22, $0x53F  }
0x1ab: {  	s11 =	simm.s32 @p1 $0x0;
	s23 =	sadd.s32 @p1 s3, s19;
	p0 =	por !p0, !p1  }
0x1ac: {  	s24 =	simm.s32 @p1 $0x0;
	s26 =	sadd.s32 @p1 $0x480, s23;
	s11 =	simm.s32 @p0 $0xC00  }
0x1ad: {  	[hbm4b:s26+s24] =	stream.linear.scatter @p1 [tilespmem:s11], [sflag:$0x3], $0x400, $0x38;
	[tilespmem:$0x18000] =	vst v63  }
0x1ae: {  	s31 =	sadd.s32 @p1 $0xC80, s23;
	s26 =	sor.u32 @p1 $0x3000, s11  }
0x1af: {  	[hbm4b:s31+s24] =	stream.linear.scatter @p1 [tilespmem:s26], [sflag:$0x3], $0x400, $0x38;
	[tilespmem:$0x18000] =	vst v63  }
0x1b0: {  	s26 =	sor.u32 @p1 $0x6000, s11;
	s31 =	sadd.s32 @p1 $0x1480, s23  }
0x1b1: {  	[hbm4b:s31+s24] =	stream.linear.scatter @p1 [tilespmem:s26], [sflag:$0x3], $0x400, $0x38;
	[tilespmem:$0x18000] =	vst v63  }
0x1b2: {  	s26 =	sor.u32 @p1 $0x9000, s11;
	s31 =	sadd.s32 @p1 $0x1C80, s23  }
0x1b3: {  	[hbm4b:s31+s24] =	stream.linear.scatter @p1 [tilespmem:s26], [sflag:$0x3], $0x400, $0x38;
	[tilespmem:$0x18000] =	vst v63  }
0x1b4: {  	s26 =	sor.u32 @p1 $0xC000, s11;
	s31 =	sadd.s32 @p1 $0x2480, s23  }
0x1b5: {  	[hbm4b:s31+s24] =	stream.linear.scatter @p1 [tilespmem:s26], [sflag:$0x3], $0x400, $0x38;
	[tilespmem:$0x18000] =	vst v63  }
0x1b6: {  	s26 =	sor.u32 @p1 $0xF000, s11;
	s31 =	sadd.s32 @p1 $0x2C80, s23  }
0x1b7: {  	[hbm4b:s31+s24] =	stream.linear.scatter @p1 [tilespmem:s26], [sflag:$0x3], $0x400, $0x38;
	[tilespmem:$0x18000] =	vst v63  }
0x1b8: {  	s26 =	sor.u32 @p1 $0x12000, s11;
	s31 =	sadd.s32 @p1 $0x3480, s23  }
0x1b9: {  	[hbm4b:s31+s24] =	stream.linear.scatter @p1 [tilespmem:s26], [sflag:$0x3], $0x400, $0x38;
	[tilespmem:$0x18000] =	vst v63  }
0x1ba: {  	s11 =	sor.u32 @p1 $0x15000, s11;
	s23 =	sadd.s32 @p1 $0x3C80, s23  }
0x1bb: {  	[hbm4b:s23+s24] =	stream.linear.scatter @p1 [tilespmem:s11], [sflag:$0x3], $0x400, $0x38;
	[tilespmem:$0x18000] =	vst v63  }
0x1bc: {  	s24 =	sld [smem:$0x7FB];
	_ =	sdelay $0x2  }
0x1bd: {  	p1 =	seq.s32 s24, $0x1  }
0x1be: {  	p0 =	sgt.u32 @p1 s22, $0x5BF  }
0x1bf: {  	s11 =	simm.s32 @p1 $0x0;
	s23 =	sadd.s32 @p1 s3, s19;
	p0 =	por !p0, !p1  }
0x1c0: {  	s24 =	simm.s32 @p1 $0x0;
	s26 =	sadd.s32 @p1 $0x500, s23;
	s11 =	simm.s32 @p0 $0xC00  }
0x1c1: {  	[hbm4b:s26+s24] =	stream.linear.scatter @p1 [tilespmem:s11], [sflag:$0x3], $0x400, $0x38;
	[tilespmem:$0x18000] =	vst v63  }
0x1c2: {  	s31 =	sadd.s32 @p1 $0xD00, s23;
	s26 =	sor.u32 @p1 $0x3000, s11  }
0x1c3: {  	[hbm4b:s31+s24] =	stream.linear.scatter @p1 [tilespmem:s26], [sflag:$0x3], $0x400, $0x38;
	[tilespmem:$0x18000] =	vst v63  }
0x1c4: {  	s26 =	sor.u32 @p1 $0x6000, s11;
	s31 =	sadd.s32 @p1 $0x1500, s23  }
0x1c5: {  	[hbm4b:s31+s24] =	stream.linear.scatter @p1 [tilespmem:s26], [sflag:$0x3], $0x400, $0x38;
	[tilespmem:$0x18000] =	vst v63  }
0x1c6: {  	s26 =	sor.u32 @p1 $0x9000, s11;
	s31 =	sadd.s32 @p1 $0x1D00, s23  }
0x1c7: {  	[hbm4b:s31+s24] =	stream.linear.scatter @p1 [tilespmem:s26], [sflag:$0x3], $0x400, $0x38;
	[tilespmem:$0x18000] =	vst v63  }
0x1c8: {  	s26 =	sor.u32 @p1 $0xC000, s11;
	s31 =	sadd.s32 @p1 $0x2500, s23  }
0x1c9: {  	[hbm4b:s31+s24] =	stream.linear.scatter @p1 [tilespmem:s26], [sflag:$0x3], $0x400, $0x38;
	[tilespmem:$0x18000] =	vst v63  }
0x1ca: {  	s26 =	sor.u32 @p1 $0xF000, s11;
	s31 =	sadd.s32 @p1 $0x2D00, s23  }
0x1cb: {  	[hbm4b:s31+s24] =	stream.linear.scatter @p1 [tilespmem:s26], [sflag:$0x3], $0x400, $0x38;
	[tilespmem:$0x18000] =	vst v63  }
0x1cc: {  	s26 =	sor.u32 @p1 $0x12000, s11;
	s31 =	sadd.s32 @p1 $0x3500, s23  }
0x1cd: {  	[hbm4b:s31+s24] =	stream.linear.scatter @p1 [tilespmem:s26], [sflag:$0x3], $0x400, $0x38;
	[tilespmem:$0x18000] =	vst v63  }
0x1ce: {  	p0 =	sgt.u32 @p2 s22, $0x63F;
	s11 =	sor.u32 @p1 $0x15000, s11;
	s23 =	sadd.s32 @p1 $0x3D00, s23  }
0x1cf: {  	[hbm4b:s23+s24] =	stream.linear.scatter @p1 [tilespmem:s11], [sflag:$0x3], $0x400, $0x38;
	[tilespmem:$0x18000] =	vst v63  }
0x1d0: {  	p0 =	por !p0, !p2;
	s11 =	simm.s32 @p2 $0x0;
	s23 =	sadd.s32 @p2 s3, s19  }
0x1d1: {  	s24 =	simm.s32 @p2 $0x0;
	s11 =	simm.s32 @p0 $0xC00;
	s26 =	sadd.s32 @p2 $0x580, s23  }
0x1d2: {  	[hbm4b:s26+s24] =	stream.linear.scatter @p2 [tilespmem:s11], [sflag:$0x3], $0x400, $0x38;
	[tilespmem:$0x18000] =	vst v63  }
0x1d3: {  	s31 =	sadd.s32 @p2 $0xD80, s23;
	s26 =	sor.u32 @p2 $0x3000, s11  }
0x1d4: {  	[hbm4b:s31+s24] =	stream.linear.scatter @p2 [tilespmem:s26], [sflag:$0x3], $0x400, $0x38;
	[tilespmem:$0x18000] =	vst v63  }
0x1d5: {  	s26 =	sor.u32 @p2 $0x6000, s11;
	s31 =	sadd.s32 @p2 $0x1580, s23  }
0x1d6: {  	[hbm4b:s31+s24] =	stream.linear.scatter @p2 [tilespmem:s26], [sflag:$0x3], $0x400, $0x38;
	[tilespmem:$0x18000] =	vst v63  }
0x1d7: {  	s26 =	sor.u32 @p2 $0x9000, s11;
	s31 =	sadd.s32 @p2 $0x1D80, s23  }
0x1d8: {  	[hbm4b:s31+s24] =	stream.linear.scatter @p2 [tilespmem:s26], [sflag:$0x3], $0x400, $0x38;
	[tilespmem:$0x18000] =	vst v63  }
0x1d9: {  	s26 =	sor.u32 @p2 $0xC000, s11;
	s31 =	sadd.s32 @p2 $0x2580, s23  }
0x1da: {  	[hbm4b:s31+s24] =	stream.linear.scatter @p2 [tilespmem:s26], [sflag:$0x3], $0x400, $0x38;
	[tilespmem:$0x18000] =	vst v63  }
0x1db: {  	s26 =	sor.u32 @p2 $0xF000, s11;
	s31 =	sadd.s32 @p2 $0x2D80, s23  }
0x1dc: {  	[hbm4b:s31+s24] =	stream.linear.scatter @p2 [tilespmem:s26], [sflag:$0x3], $0x400, $0x38;
	[tilespmem:$0x18000] =	vst v63  }
0x1dd: {  	s26 =	sor.u32 @p2 $0x12000, s11;
	s31 =	sadd.s32 @p2 $0x3580, s23  }
0x1de: {  	[hbm4b:s31+s24] =	stream.linear.scatter @p2 [tilespmem:s26], [sflag:$0x3], $0x400, $0x38;
	[tilespmem:$0x18000] =	vst v63  }
0x1df: {  	p0 =	sgt.u32 @p3 s22, $0x6BF;
	s11 =	sor.u32 @p2 $0x15000, s11;
	s23 =	sadd.s32 @p2 $0x3D80, s23  }
0x1e0: {  	[hbm4b:s23+s24] =	stream.linear.scatter @p2 [tilespmem:s11], [sflag:$0x3], $0x400, $0x38;
	[tilespmem:$0x18000] =	vst v63  }
0x1e1: {  	p0 =	por !p0, !p3;
	s11 =	simm.s32 @p3 $0x0;
	s23 =	sadd.s32 @p3 s3, s19  }
0x1e2: {  	s24 =	simm.s32 @p3 $0x0;
	s11 =	simm.s32 @p0 $0xC00;
	s26 =	sadd.s32 @p3 $0x600, s23  }
0x1e3: {  	[hbm4b:s26+s24] =	stream.linear.scatter @p3 [tilespmem:s11], [sflag:$0x3], $0x400, $0x38;
	[tilespmem:$0x18000] =	vst v63  }
0x1e4: {  	s31 =	sadd.s32 @p3 $0xE00, s23;
	s26 =	sor.u32 @p3 $0x3000, s11  }
0x1e5: {  	[hbm4b:s31+s24] =	stream.linear.scatter @p3 [tilespmem:s26], [sflag:$0x3], $0x400, $0x38;
	[tilespmem:$0x18000] =	vst v63  }
0x1e6: {  	s26 =	sor.u32 @p3 $0x6000, s11;
	s31 =	sadd.s32 @p3 $0x1600, s23  }
0x1e7: {  	[hbm4b:s31+s24] =	stream.linear.scatter @p3 [tilespmem:s26], [sflag:$0x3], $0x400, $0x38;
	[tilespmem:$0x18000] =	vst v63  }
0x1e8: {  	s26 =	sor.u32 @p3 $0x9000, s11;
	s31 =	sadd.s32 @p3 $0x1E00, s23  }
0x1e9: {  	[hbm4b:s31+s24] =	stream.linear.scatter @p3 [tilespmem:s26], [sflag:$0x3], $0x400, $0x38;
	[tilespmem:$0x18000] =	vst v63  }
0x1ea: {  	s26 =	sor.u32 @p3 $0xC000, s11;
	s31 =	sadd.s32 @p3 $0x2600, s23  }
0x1eb: {  	[hbm4b:s31+s24] =	stream.linear.scatter @p3 [tilespmem:s26], [sflag:$0x3], $0x400, $0x38;
	[tilespmem:$0x18000] =	vst v63  }
0x1ec: {  	s26 =	sor.u32 @p3 $0xF000, s11;
	s31 =	sadd.s32 @p3 $0x2E00, s23  }
0x1ed: {  	[hbm4b:s31+s24] =	stream.linear.scatter @p3 [tilespmem:s26], [sflag:$0x3], $0x400, $0x38;
	[tilespmem:$0x18000] =	vst v63  }
0x1ee: {  	s26 =	sor.u32 @p3 $0x12000, s11;
	s31 =	sadd.s32 @p3 $0x3600, s23  }
0x1ef: {  	[hbm4b:s31+s24] =	stream.linear.scatter @p3 [tilespmem:s26], [sflag:$0x3], $0x400, $0x38;
	[tilespmem:$0x18000] =	vst v63  }
0x1f0: {  	p0 =	sgt.u32 @p4 s22, $0x73F;
	s11 =	sor.u32 @p3 $0x15000, s11;
	s23 =	sadd.s32 @p3 $0x3E00, s23  }
0x1f1: {  	[hbm4b:s23+s24] =	stream.linear.scatter @p3 [tilespmem:s11], [sflag:$0x3], $0x400, $0x38;
	[tilespmem:$0x18000] =	vst v63  }
0x1f2: {  	p0 =	por !p0, !p4;
	s11 =	simm.s32 @p4 $0x0;
	s23 =	sadd.s32 @p4 s3, s19  }
0x1f3: {  	s24 =	simm.s32 @p4 $0x0;
	s11 =	simm.s32 @p0 $0xC00;
	s26 =	sadd.s32 @p4 $0x680, s23  }
0x1f4: {  	[hbm4b:s26+s24] =	stream.linear.scatter @p4 [tilespmem:s11], [sflag:$0x3], $0x400, $0x38;
	[tilespmem:$0x18000] =	vst v63  }
0x1f5: {  	s31 =	sadd.s32 @p4 $0xE80, s23;
	s26 =	sor.u32 @p4 $0x3000, s11  }
0x1f6: {  	[hbm4b:s31+s24] =	stream.linear.scatter @p4 [tilespmem:s26], [sflag:$0x3], $0x400, $0x38;
	[tilespmem:$0x18000] =	vst v63  }
0x1f7: {  	s26 =	sor.u32 @p4 $0x6000, s11;
	s31 =	sadd.s32 @p4 $0x1680, s23  }
0x1f8: {  	[hbm4b:s31+s24] =	stream.linear.scatter @p4 [tilespmem:s26], [sflag:$0x3], $0x400, $0x38;
	[tilespmem:$0x18000] =	vst v63  }
0x1f9: {  	s26 =	sor.u32 @p4 $0x9000, s11;
	s31 =	sadd.s32 @p4 $0x1E80, s23  }
0x1fa: {  	[hbm4b:s31+s24] =	stream.linear.scatter @p4 [tilespmem:s26], [sflag:$0x3], $0x400, $0x38;
	[tilespmem:$0x18000] =	vst v63  }
0x1fb: {  	s26 =	sor.u32 @p4 $0xC000, s11;
	s31 =	sadd.s32 @p4 $0x2680, s23  }
0x1fc: {  	[hbm4b:s31+s24] =	stream.linear.scatter @p4 [tilespmem:s26], [sflag:$0x3], $0x400, $0x38;
	[tilespmem:$0x18000] =	vst v63  }
0x1fd: {  	s26 =	sor.u32 @p4 $0xF000, s11;
	s31 =	sadd.s32 @p4 $0x2E80, s23  }
0x1fe: {  	[hbm4b:s31+s24] =	stream.linear.scatter @p4 [tilespmem:s26], [sflag:$0x3], $0x400, $0x38;
	[tilespmem:$0x18000] =	vst v63  }
0x1ff: {  	s26 =	sor.u32 @p4 $0x12000, s11;
	s31 =	sadd.s32 @p4 $0x3680, s23  }
0x200: {  	[hbm4b:s31+s24] =	stream.linear.scatter @p4 [tilespmem:s26], [sflag:$0x3], $0x400, $0x38;
	[tilespmem:$0x18000] =	vst v63  }
0x201: {  	s26 =	sld [smem:$0x7FC]  }
0x202: {  	s11 =	sor.u32 @p4 $0x15000, s11;
	s23 =	sadd.s32 @p4 $0x3E80, s23  }
0x203: {  	[hbm4b:s23+s24] =	stream.linear.scatter @p4 [tilespmem:s11], [sflag:$0x3], $0x400, $0x38;
	[tilespmem:$0x18000] =	vst v63  }
0x204: {  	p1 =	seq.s32 s26, $0x1  }
0x205: {  	p0 =	sgt.u32 @!p1 s22, $0x73F  }
0x206: {  	p5 =	por p0, p1  }
0x207: {  	s11 =	sadd.s32 @!p5 s3, s19  }
0x208: {  	s23 =	simm.s32 @!p5 $0x0;
	s24 =	simm.s32 @!p5 $0xC00;
	s22 =	sadd.s32 @!p5 $0x700, s11  }
0x209: {  	[hbm4b:s22+s23] =	stream.linear.scatter @!p5 [tilespmem:s24], [sflag:$0x3], $0x400, $0x38;
	[tilespmem:$0x18000] =	vst v63  }
0x20a: {  	s22 =	sadd.s32 @!p5 $0xF00, s11;
	s24 =	simm.s32 @!p5 $0x3C00  }
0x20b: {  	[hbm4b:s22+s23] =	stream.linear.scatter @!p5 [tilespmem:s24], [sflag:$0x3], $0x400, $0x38;
	[tilespmem:$0x18000] =	vst v63  }
0x20c: {  	s22 =	sadd.s32 @!p5 $0x1700, s11;
	s24 =	simm.s32 @!p5 $0x6C00  }
0x20d: {  	[hbm4b:s22+s23] =	stream.linear.scatter @!p5 [tilespmem:s24], [sflag:$0x3], $0x400, $0x38;
	[tilespmem:$0x18000] =	vst v63  }
0x20e: {  	s22 =	sadd.s32 @!p5 $0x1F00, s11;
	s24 =	simm.s32 @!p5 $0x9C00  }
0x20f: {  	[hbm4b:s22+s23] =	stream.linear.scatter @!p5 [tilespmem:s24], [sflag:$0x3], $0x400, $0x38;
	[tilespmem:$0x18000] =	vst v63  }
0x210: {  	s22 =	sadd.s32 @!p5 $0x2700, s11;
	s24 =	simm.s32 @!p5 $0xCC00  }
0x211: {  	[hbm4b:s22+s23] =	stream.linear.scatter @!p5 [tilespmem:s24], [sflag:$0x3], $0x400, $0x38;
	[tilespmem:$0x18000] =	vst v63  }
0x212: {  	s31 =	sld [smem:$0x7FD];
	s22 =	sadd.s32 @!p5 $0x2F00, s11;
	s24 =	simm.s32 @!p5 $0xFC00  }
0x213: {  	[hbm4b:s22+s23] =	stream.linear.scatter @!p5 [tilespmem:s24], [sflag:$0x3], $0x400, $0x38;
	[tilespmem:$0x18000] =	vst v63  }
0x214: {  	s22 =	sadd.s32 @!p5 $0x3700, s11;
	s24 =	simm.s32 @!p5 $0x12C00  }
0x215: {  	[hbm4b:s22+s23] =	stream.linear.scatter @!p5 [tilespmem:s24], [sflag:$0x3], $0x400, $0x38;
	[tilespmem:$0x18000] =	vst v63  }
0x216: {  	p0 =	seq.s32 s31, $0x1;
	s11 =	sadd.s32 @!p5 $0x3F00, s11;
	s22 =	simm.s32 @!p5 $0x15C00  }
0x217: {  	[hbm4b:s11+s23] =	stream.linear.scatter @!p5 [tilespmem:s22], [sflag:$0x3], $0x400, $0x38;
	[tilespmem:$0x18000] =	vst v63  }
0x218: {  	s11 =	sadd.s32 @!p0 s3, s19  }
0x219: {  	s24 =	simm.s32 @!p0 $0xC00;
	s23 =	simm.s32 @!p0 $0x0;
	s22 =	sadd.s32 @!p0 $0x780, s11  }
0x21a: {  	[hbm4b:s22+s23] =	stream.linear.scatter @!p0 [tilespmem:s24], [sflag:$0x3], $0x400, $0x38;
	[tilespmem:$0x18000] =	vst v63  }
0x21b: {  	s22 =	sadd.s32 @!p0 $0xF80, s11;
	s24 =	simm.s32 @!p0 $0x3C00  }
0x21c: {  	[hbm4b:s22+s23] =	stream.linear.scatter @!p0 [tilespmem:s24], [sflag:$0x3], $0x400, $0x38;
	[tilespmem:$0x18000] =	vst v63  }
0x21d: {  	s22 =	sadd.s32 @!p0 $0x1780, s11;
	s24 =	simm.s32 @!p0 $0x6C00  }
0x21e: {  	[hbm4b:s22+s23] =	stream.linear.scatter @!p0 [tilespmem:s24], [sflag:$0x3], $0x400, $0x38;
	[tilespmem:$0x18000] =	vst v63  }
0x21f: {  	s22 =	sadd.s32 @!p0 $0x1F80, s11;
	s24 =	simm.s32 @!p0 $0x9C00  }
0x220: {  	[hbm4b:s22+s23] =	stream.linear.scatter @!p0 [tilespmem:s24], [sflag:$0x3], $0x400, $0x38;
	[tilespmem:$0x18000] =	vst v63  }
0x221: {  	s22 =	sadd.s32 @!p0 $0x2780, s11;
	s24 =	simm.s32 @!p0 $0xCC00  }
0x222: {  	[hbm4b:s22+s23] =	stream.linear.scatter @!p0 [tilespmem:s24], [sflag:$0x3], $0x400, $0x38;
	[tilespmem:$0x18000] =	vst v63  }
0x223: {  	s22 =	sadd.s32 @!p0 $0x2F80, s11;
	s24 =	simm.s32 @!p0 $0xFC00  }
0x224: {  	[hbm4b:s22+s23] =	stream.linear.scatter @!p0 [tilespmem:s24], [sflag:$0x3], $0x400, $0x38;
	[tilespmem:$0x18000] =	vst v63  }
0x225: {  	s22 =	sadd.s32 @!p0 $0x3780, s11;
	s24 =	simm.s32 @!p0 $0x12C00  }
0x226: {  	[hbm4b:s22+s23] =	stream.linear.scatter @!p0 [tilespmem:s24], [sflag:$0x3], $0x400, $0x38;
	[tilespmem:$0x18000] =	vst v63  }
0x227: {  	s3 =	sadd.s32 $0x4000, s3;
	s11 =	sadd.s32 @!p0 $0x3F80, s11;
	s22 =	simm.s32 @!p0 $0x15C00  }
0x228: {  	[hbm4b:s11+s23] =	stream.linear.scatter @!p0 [tilespmem:s22], [sflag:$0x3], $0x400, $0x38;
	[tilespmem:$0x18000] =	vst v63  }
0x229: {  	p0 =	sne.s32 s3, $0x100000  }
.Ltmp0:
0x22a: {  	_ = 	snop;
	(pc) =	sbr.rel @p0 .LBB2_2-.Ltmp0, $2  }
0x22b: {  	_ =	sdelay $0x2  }
0x22c: {  	s20 =	sadd.s32 $0x800, s20;
	s0 =	sadd.s32 $0x1, s0  }
0x22d: {  	s0 =	simm.s32 $0x2  }
0x22e: {  	_ =	swait.ge [sflag:s0], $0x4000  }
0x22f: {  	[sflag:s0] =	ssyncset.done $0x0  }
0x230: {  	[sflag:s0] =	ssyncadd.s32 $0xFFFFC000  }
0x231: {  	_ =	swait.ge [sflag:s28], $0xE000  }
0x232: {  	[sflag:s28] =	ssyncset.done $0x0  }
0x233: {  	[sflag:s28] =	ssyncadd.s32 $0xFFFF2000  }
0x234: {  	_ =	swait.ge [sflag:s28], $0xE000  }
0x235: {  	s0 =	simm.s32 $0x3F;
	[sflag:s28] =	ssyncset.done $0x0  }
.LBB2_4:
0x236: {  	p0 =	sne.s32 s0, $0x1;
	s0 =	sadd.s32 $0xFFFFFFFF, s0;
	[sflag:s28] =	ssyncadd.s32 $0xFFFF2000  }
.Ltmp1:
0x237: {  	_ =	swait.ge [sflag:s28], $0xE000;
	(pc) =	sbr.rel @p0 .LBB2_4-.Ltmp1, $4  }
0x238: {  	[sflag:s28] =	ssyncset.done $0x0  }
0x239: {  	[sflag:s28] =	ssyncadd.s32 $0xFFFF2000  }
0x23a: {  	_ =	swait.ge [sflag:s28], $0xE000  }
0x23b: {  	[sflag:s28] =	ssyncset.done $0x0  }
0x23c: {  	s29 =	sadd.s32 $0x1, s29;
	s0 =	rddreg [dreg:$0x3]  }
0x23d: {  	p0 =	sne.s32 s29, s0  }
.Ltmp2:
0x23e: {  	_ = 	snop;
	(pc) =	sbr.rel @p0 .LBB2_1-.Ltmp2, $2  }
0x23f: {  	_ =	sdelay $0x2  }
0x240: {  	[sflag:s28] =	ssyncadd.s32 $0xFFFF2000  }
0x241: {  	_ =	sfence.sel $0x180000  }
0x242: {  	[bflag:$0x0] =	sbarrier.arrive $0xFFFF  }
0x243: {  	_ =	strace $0x90000047  }
0x244: {  	s0 =	stileid.u32;
	[bflag:$0x2] =	sbarrier.arrive $0xFFFF  }
0x245: {  	p0 =	sne.s32 s0, $0x0;
	s0 =	rddreg [dreg:$0x2]  }
0x246: {  	s0 =	sadd.s32 @!p0 $0x100000, s0  }
0x247: {  	[sflag:s0] =	ssyncadd.tile.s32 @!p0 $0x1;
	_ =	shalt  }
.Lfunc_end2:
_tile_overlayer_lowered:
.L_overlay_start_2:
0x248: {  	(tag) =	ssettag $0x2  }
0x249: {  	s0 =	rddreg [dreg:$0x0];
	s2 =	stileid.u32  }
0x24a: {  	s1 =	rddreg [dreg:$0x1];
	p0 =	sne.s32 s2, $0x0  }
0x24b: {  	s3 =	rddreg [dreg:$0x2];
	[bflag:$0x3] =	sbarrier.arrive $0xFFFF;
	s2 =	simm.s32 @!p0 $0x1C04  }
0x24c: {  	[timem:s3], [sflag:s2] =	dma.local @!p0 [hbm:s0], s1  }
0x24d: {  	s0 =	simm.s32 @!p0 $0x4  }
0x24e: {  	_ =	swait.ge @!p0 [sflag:s0], s1  }
0x24f: {  	s1 =	ssub.s32 @!p0 $0x0, s1;
	[sflag:s0] =	ssyncset.done @!p0 $0x0  }
0x250: {  	[sflag:s0] =	ssyncadd.s32 @!p0 s1  }
0x251: {  	[bflag:$0x3] =	sbarrier.arrive $0xFFFF  }
0x252: {  	_ =	shalt  }

</sc_bundles>
